<compile_context>
chip_gen: v7x
topology: tpu7x:2x2x1
jax: 0.10.2.dev20260603
libtpu: 0.0.44.dev20260713+nightly
codegen_flags: <defaults>
</compile_context>

<pallas_src>
import functools

import jax
import jax.numpy as jnp
from jax import lax
from jax.experimental import pallas as pl
from jax.experimental.pallas import tpu as pltpu
from jax.experimental.pallas import tpu_sc as plsc

D_MODEL = 128
CHUNK = 64
LANES = 16
NBUF = 4


@functools.lru_cache(maxsize=None)
def _build(S, B, V):
    info = plsc.get_sparse_core_info()
    num_workers = info.num_cores * info.num_subcores
    n_rows = S * B
    n_chunks = n_rows // CHUNK
    assert n_rows % CHUNK == 0 and n_chunks % num_workers == 0
    assert B % CHUNK == 0
    per_worker = n_chunks // num_workers
    rows_per_worker = per_worker * CHUNK
    assert per_worker % NBUF == 0
    pe_span = rows_per_worker // B + 2

    mesh = plsc.VectorSubcoreMesh(core_axis_name="c", subcore_axis_name="s")

    @functools.partial(
        pl.kernel,
        out_type=jax.ShapeDtypeStruct((n_rows, D_MODEL), jnp.float32),
        mesh=mesh,
        scratch_types=[
            pltpu.VMEM((per_worker, CHUNK), jnp.int32),
            pltpu.VMEM((pe_span * D_MODEL,), jnp.float32),
            pltpu.VMEM((NBUF, CHUNK, D_MODEL), jnp.float32),
            pltpu.VMEM((NBUF, CHUNK, D_MODEL), jnp.float32),
        ] + [pltpu.SemaphoreType.DMA] * (2 * NBUF),
    )
    def body(x_hbm, table_hbm, pe_hbm, out_hbm, idx_all, pe_v, rows_v, out_v,
             *sems):
        gsem = sems[:NBUF]
        ssem = sems[NBUF:]
        wid = lax.axis_index("s") * info.num_cores + lax.axis_index("c")
        row0 = wid * rows_per_worker
        s_base = row0 // B

        def issue_gather(k, b):
            pltpu.async_copy(table_hbm.at[idx_all.at[k]], rows_v.at[b], gsem[b])

        def wait_gather(b):
            pltpu.make_async_copy(
                table_hbm.at[idx_all.at[0]], rows_v.at[b], gsem[b]).wait()

        def wait_store(b):
            pltpu.make_async_copy(
                out_v.at[b], out_hbm.at[pl.ds(0, CHUNK)], ssem[b]).wait()

        head = 8
        pltpu.sync_copy(x_hbm.at[wid, pl.ds(0, head)], idx_all.at[pl.ds(0, head)])
        for b in range(NBUF):
            issue_gather(b, b)
        pltpu.sync_copy(x_hbm.at[wid, pl.ds(head, per_worker - head)],
                        idx_all.at[pl.ds(head, per_worker - head)])
        pltpu.sync_copy(
            pe_hbm.at[pl.ds(s_base * D_MODEL, pe_span * D_MODEL)], pe_v)

        def outer(g, carry):
            for b in range(NBUF):
                k = g * NBUF + b
                row_base = row0 + k * CHUNK
                wait_gather(b)

                @pl.when(k >= NBUF)
                def _():
                    wait_store(b)

                s_loc = row_base // B - s_base
                pe_regs = tuple(
                    pe_v[pl.ds(s_loc * D_MODEL + j * LANES, LANES)]
                    for j in range(D_MODEL // LANES))

                def row_body(r, pregs):
                    for j in range(D_MODEL // LANES):
                        sl = pl.ds(j * LANES, LANES)
                        out_v.at[b][r, sl] = rows_v.at[b][r, sl] + pregs[j]
                    return pregs

                lax.fori_loop(0, CHUNK, row_body, pe_regs)
                pltpu.async_copy(
                    out_v.at[b], out_hbm.at[pl.ds(row_base, CHUNK)], ssem[b])

                @pl.when(k + NBUF < per_worker)
                def _():
                    issue_gather(k + NBUF, b)

            return carry

        lax.fori_loop(0, per_worker // NBUF, outer, 0)
        for b in range(NBUF):
            wait_store(b)

    return body


def kernel(x, word_embedding, pe):
    S, B = x.shape
    V, D = word_embedding.shape
    n_workers = 32
    x_blocks = x.reshape(n_workers, -1, CHUNK).astype(jnp.int32)
    pe_flat = pe.reshape(-1)
    out = _build(S, B, V)(x_blocks, word_embedding, pe_flat)
    return out.reshape(S, B, D)

# --- scband reference (transcript-rebuilt; emitter-appended) ---
"""Pipeline reference for scband-embedding-67156108640888 (READ-ONLY COPY).

The authoritative reference and input builder live on the scoring server;
editing this copy changes nothing except your own understanding.
"""

import jax, jax.numpy as jnp
import numpy as np
import math

D_MODEL = 128
VOCAB = 100000
MAX_LEN = 5000
SEQ = 200
BATCH = 1024

def _make_pe(d_model, max_len):
    pe = np.zeros((max_len, d_model), dtype=np.float32)
    position = np.arange(0, max_len, dtype=np.float32)[:, None]
    div_term = np.exp(np.arange(0, d_model, 2, dtype=np.float32) * (-math.log(10000.0) / d_model))
    pe[:, 0::2] = np.sin(position * div_term)
    pe[:, 1::2] = np.cos(position * div_term)
    # unsqueeze(0).transpose(0,1) -> [max_len, 1, d_model]
    return jnp.asarray(pe[:, None, :])

def setup_inputs(seed: int = 0) -> dict:
    key = jax.random.key(seed)
    k1, k2 = jax.random.split(key)
    x = jax.random.randint(k1, (SEQ, BATCH), 0, VOCAB, dtype=jnp.int64)
    word_embedding = jax.random.normal(k2, (VOCAB, D_MODEL), dtype=jnp.float32)
    pe = _make_pe(D_MODEL, MAX_LEN)
    return {"x": x, "word_embedding": word_embedding, "pe": pe}

def reference(x, word_embedding, pe):
    # nn.Embedding lookup (gather)
    emb = jnp.take(word_embedding, x, axis=0)  # [S, B, D]
    # PositionalEncoding: x + pe[:S, :] (pe is [max_len, 1, D], broadcasts over batch)
    out = emb + pe[: emb.shape[0], :]
    # Dropout in eval mode is identity (deterministic reference)
    return out

if __name__ == "__main__":
    import jax
    _d = setup_inputs()
    print(jax.jit(kernel)(*tuple(_d.values())))

</pallas_src>

<mosaic_0001>
#map = affine_map<(d0, d1) -> (0, 0, 0)>
#map1 = affine_map<(d0, d1) -> (0, 0)>
#map2 = affine_map<(d0, d1) -> (0)>
module attributes {stable_mosaic.version = 14 : i64} {
  func.func @body(%arg0: i32, %arg1: i32, %arg2: memref<32x100x64xi32, #tpu.memory_space<hbm>>, %arg3: memref<100000x128xf32, #tpu.memory_space<hbm>>, %arg4: memref<640000xf32, #tpu.memory_space<hbm>>, %arg5: memref<204800x128xf32, #tpu.memory_space<hbm>>, %arg6: memref<100x64xi32, #tpu.memory_space<vmem>>, %arg7: memref<1024xf32, #tpu.memory_space<vmem>>, %arg8: memref<4x64x128xf32, #tpu.memory_space<vmem>>, %arg9: memref<4x64x128xf32, #tpu.memory_space<vmem>>, %arg10: memref<!tpu.dma_semaphore, #tpu.memory_space<semaphore_mem>>, %arg11: memref<!tpu.dma_semaphore, #tpu.memory_space<semaphore_mem>>, %arg12: memref<!tpu.dma_semaphore, #tpu.memory_space<semaphore_mem>>, %arg13: memref<!tpu.dma_semaphore, #tpu.memory_space<semaphore_mem>>, %arg14: memref<!tpu.dma_semaphore, #tpu.memory_space<semaphore_mem>>, %arg15: memref<!tpu.dma_semaphore, #tpu.memory_space<semaphore_mem>>, %arg16: memref<!tpu.dma_semaphore, #tpu.memory_space<semaphore_mem>>, %arg17: memref<!tpu.dma_semaphore, #tpu.memory_space<semaphore_mem>>) attributes {dimension_semantics = [#tpu.dimension_semantics<core_parallel>, #tpu.dimension_semantics<subcore_parallel>], iteration_bounds = array<i64: 2, 16>, scalar_prefetch = 0 : i64, scratch_operands = 12 : i64, tpu.core_type = #tpu.core_type<sc_vector_subcore>, window_params = [{transform_indices = #map}, {transform_indices = #map1}, {transform_indices = #map2}, {transform_indices = #map1}]} {
    %mul3A = arith.constant 2 : i32
    %mul3A_0 = arith.muli %arg1, %mul3A : i32
    %add3A = arith.addi %mul3A_0, %arg0 : i32
    %mul3A_1 = arith.constant 6400 : i32
    %mul3A_2 = arith.muli %add3A, %mul3A_1 : i32
    %jit3A = arith.constant 1024 : i32
    %div3A = arith.divsi %mul3A_2, %jit3A : i32
    %sign3A = arith.constant 0 : i32
    %sign3A_3 = arith.cmpi sgt, %mul3A_2, %sign3A : i32
    %sign3A_4 = arith.extui %sign3A_3 : i1 to i32
    %sign3A_5 = arith.constant 0 : i32
    %sign3A_6 = arith.cmpi slt, %mul3A_2, %sign3A_5 : i32
    %sign3A_7 = arith.extui %sign3A_6 : i1 to i32
    %sign3A_8 = arith.subi %sign3A_4, %sign3A_7 : i32
    %sign3A_9 = arith.constant 0 : i32
    %sign3A_10 = arith.cmpi sgt, %jit3A, %sign3A_9 : i32
    %sign3A_11 = arith.extui %sign3A_10 : i1 to i32
    %sign3A_12 = arith.constant 0 : i32
    %sign3A_13 = arith.cmpi slt, %jit3A, %sign3A_12 : i32
    %sign3A_14 = arith.extui %sign3A_13 : i1 to i32
    %sign3A_15 = arith.subi %sign3A_11, %sign3A_14 : i32
    %ne3A = arith.cmpi ne, %sign3A_8, %sign3A_15 : i32
    %rem3A = arith.remsi %mul3A_2, %jit3A : i32
    %ne3A_16 = arith.constant 0 : i32
    %ne3A_17 = arith.cmpi ne, %rem3A, %ne3A_16 : i32
    %and3A = arith.andi %ne3A, %ne3A_17 : i1
    %sub3A = arith.constant 1 : i32
    %sub3A_18 = arith.subi %div3A, %sub3A : i32
    %select_n3A = arith.select %and3A, %sub3A_18, %div3A : i32
    "tpu.region"() ({
      %run_scoped3A = tpu.sem_alloc : memref<!tpu.dma_semaphore, #tpu.memory_space<semaphore_mem>>
      %dma_start3A_132 = arith.constant 0 : i32
      %dma_start3A_133 = arith.constant 0 : i32
      %dma_start3A_134 = tpu.memref_slice %arg6[%dma_start3A_132, %dma_start3A_133] : memref<100x64xi32, #tpu.memory_space<vmem>> -> memref<8x64xi32, #tpu.memory_space<vmem>>
      %dma_start3A_135 = arith.constant 0 : i32
      %dma_start3A_136 = arith.constant 0 : i32
      %dma_start3A_137 = tpu.memref_slice %arg2[%add3A, %dma_start3A_135, %dma_start3A_136] : memref<32x100x64xi32, #tpu.memory_space<hbm>> -> memref<1x8x64xi32, #tpu.memory_space<hbm>>
      %dma_start3A_138 = tpu.memref_squeeze %dma_start3A_137 : memref<1x8x64xi32, #tpu.memory_space<hbm>> -> memref<8x64xi32, #tpu.memory_space<hbm>>
      %dma_start3A_139 = arith.constant 0 : i32
      %dma_start3A_140 = arith.constant 0 : i32
      %dma_start3A_141 = tpu.memref_slice %arg6[%dma_start3A_139, %dma_start3A_140] : memref<100x64xi32, #tpu.memory_space<vmem>> -> memref<8x64xi32, #tpu.memory_space<vmem>>
      %dma_start3A_142 = arith.constant 0 : i32
      %dma_start3A_143 = arith.constant 0 : i32
      %dma_start3A_144 = tpu.memref_slice %arg2[%add3A, %dma_start3A_142, %dma_start3A_143] : memref<32x100x64xi32, #tpu.memory_space<hbm>> -> memref<1x8x64xi32, #tpu.memory_space<hbm>>
      %dma_start3A_145 = tpu.memref_squeeze %dma_start3A_144 : memref<1x8x64xi32, #tpu.memory_space<hbm>> -> memref<8x64xi32, #tpu.memory_space<hbm>>
      tpu.enqueue_dma source(%dma_start3A_145 : memref<8x64xi32, #tpu.memory_space<hbm>>) target(%dma_start3A_141 : memref<8x64xi32, #tpu.memory_space<vmem>>) target_semaphore(%run_scoped3A : memref<!tpu.dma_semaphore, #tpu.memory_space<semaphore_mem>>)
      %dma_wait3A_146 = arith.constant 0 : i32
      %dma_wait3A_147 = arith.constant 0 : i32
      %dma_wait3A_148 = tpu.memref_slice %arg6[%dma_wait3A_146, %dma_wait3A_147] : memref<100x64xi32, #tpu.memory_space<vmem>> -> memref<8x64xi32, #tpu.memory_space<vmem>>
      %dma_wait3A_149 = arith.constant 0 : i32
      %dma_wait3A_150 = arith.constant 0 : i32
      %dma_wait3A_151 = tpu.memref_slice %arg2[%add3A, %dma_wait3A_149, %dma_wait3A_150] : memref<32x100x64xi32, #tpu.memory_space<hbm>> -> memref<1x8x64xi32, #tpu.memory_space<hbm>>
      %dma_wait3A_152 = tpu.memref_squeeze %dma_wait3A_151 : memref<1x8x64xi32, #tpu.memory_space<hbm>> -> memref<8x64xi32, #tpu.memory_space<hbm>>
      %dma_wait3A_153 = arith.constant 0 : i32
      %dma_wait3A_154 = arith.constant 0 : i32
      %dma_wait3A_155 = tpu.memref_slice %arg6[%dma_wait3A_153, %dma_wait3A_154] : memref<100x64xi32, #tpu.memory_space<vmem>> -> memref<8x64xi32, #tpu.memory_space<vmem>>
      %dma_wait3A_156 = arith.constant 0 : i32
      %dma_wait3A_157 = arith.constant 0 : i32
      %dma_wait3A_158 = tpu.memref_slice %arg2[%add3A, %dma_wait3A_156, %dma_wait3A_157] : memref<32x100x64xi32, #tpu.memory_space<hbm>> -> memref<1x8x64xi32, #tpu.memory_space<hbm>>
      %dma_wait3A_159 = tpu.memref_squeeze %dma_wait3A_158 : memref<1x8x64xi32, #tpu.memory_space<hbm>> -> memref<8x64xi32, #tpu.memory_space<hbm>>
      tpu.wait_dma2 semaphore(%run_scoped3A : memref<!tpu.dma_semaphore, #tpu.memory_space<semaphore_mem>>) src(%dma_wait3A_159 : memref<8x64xi32, #tpu.memory_space<hbm>>) dst(%dma_wait3A_155 : memref<8x64xi32, #tpu.memory_space<vmem>>)
      tpu.yield
    }) : () -> ()
    %dma_start3A = arith.constant 0 : i32
    %dma_start3A_19 = arith.constant 0 : i32
    %dma_start3A_20 = arith.constant 0 : i32
    %dma_start3A_21 = arith.constant 0 : i32
    %dma_start3A_22 = tpu.memref_slice %arg8[%dma_start3A_19, %dma_start3A_20, %dma_start3A_21] : memref<4x64x128xf32, #tpu.memory_space<vmem>> -> memref<1x64x128xf32, #tpu.memory_space<vmem>>
    %dma_start3A_23 = tpu.memref_squeeze %dma_start3A_22 : memref<1x64x128xf32, #tpu.memory_space<vmem>> -> memref<64x128xf32, #tpu.memory_space<vmem>>
    %dma_start3A_24 = arith.constant 0 : i32
    %dma_start3A_25 = tpu.memref_slice %arg6[%dma_start3A, %dma_start3A_24] : memref<100x64xi32, #tpu.memory_space<vmem>> -> memref<1x64xi32, #tpu.memory_space<vmem>>
    %dma_start3A_26 = tpu.memref_squeeze %dma_start3A_25 : memref<1x64xi32, #tpu.memory_space<vmem>> -> memref<64xi32, #tpu.memory_space<vmem>>
    %dma_start3A_27 = arith.constant 0 : i32
    %dma_start3A_28 = arith.constant 0 : i32
    %dma_start3A_29 = tpu.memref_slice %arg3[%dma_start3A_27, %dma_start3A_28] : memref<100000x128xf32, #tpu.memory_space<hbm>> -> memref<100000x128xf32, #tpu.memory_space<hbm>>
    tpu.enqueue_indirect_dma source(%dma_start3A_29 : memref<100000x128xf32, #tpu.memory_space<hbm>>) target(%dma_start3A_23 : memref<64x128xf32, #tpu.memory_space<vmem>>) offsets(%dma_start3A_26 : memref<64xi32, #tpu.memory_space<vmem>>) semaphore(%arg10 : memref<!tpu.dma_semaphore, #tpu.memory_space<semaphore_mem>>)
    %dma_start3A_30 = arith.constant 1 : i32
    %dma_start3A_31 = arith.constant 1 : i32
    %dma_start3A_32 = arith.constant 0 : i32
    %dma_start3A_33 = arith.constant 0 : i32
    %dma_start3A_34 = tpu.memref_slice %arg8[%dma_start3A_31, %dma_start3A_32, %dma_start3A_33] : memref<4x64x128xf32, #tpu.memory_space<vmem>> -> memref<1x64x128xf32, #tpu.memory_space<vmem>>
    %dma_start3A_35 = tpu.memref_squeeze %dma_start3A_34 : memref<1x64x128xf32, #tpu.memory_space<vmem>> -> memref<64x128xf32, #tpu.memory_space<vmem>>
    %dma_start3A_36 = arith.constant 0 : i32
    %dma_start3A_37 = tpu.memref_slice %arg6[%dma_start3A_30, %dma_start3A_36] : memref<100x64xi32, #tpu.memory_space<vmem>> -> memref<1x64xi32, #tpu.memory_space<vmem>>
    %dma_start3A_38 = tpu.memref_squeeze %dma_start3A_37 : memref<1x64xi32, #tpu.memory_space<vmem>> -> memref<64xi32, #tpu.memory_space<vmem>>
    %dma_start3A_39 = arith.constant 0 : i32
    %dma_start3A_40 = arith.constant 0 : i32
    %dma_start3A_41 = tpu.memref_slice %arg3[%dma_start3A_39, %dma_start3A_40] : memref<100000x128xf32, #tpu.memory_space<hbm>> -> memref<100000x128xf32, #tpu.memory_space<hbm>>
    tpu.enqueue_indirect_dma source(%dma_start3A_41 : memref<100000x128xf32, #tpu.memory_space<hbm>>) target(%dma_start3A_35 : memref<64x128xf32, #tpu.memory_space<vmem>>) offsets(%dma_start3A_38 : memref<64xi32, #tpu.memory_space<vmem>>) semaphore(%arg11 : memref<!tpu.dma_semaphore, #tpu.memory_space<semaphore_mem>>)
    %dma_start3A_42 = arith.constant 2 : i32
    %dma_start3A_43 = arith.constant 2 : i32
    %dma_start3A_44 = arith.constant 0 : i32
    %dma_start3A_45 = arith.constant 0 : i32
    %dma_start3A_46 = tpu.memref_slice %arg8[%dma_start3A_43, %dma_start3A_44, %dma_start3A_45] : memref<4x64x128xf32, #tpu.memory_space<vmem>> -> memref<1x64x128xf32, #tpu.memory_space<vmem>>
    %dma_start3A_47 = tpu.memref_squeeze %dma_start3A_46 : memref<1x64x128xf32, #tpu.memory_space<vmem>> -> memref<64x128xf32, #tpu.memory_space<vmem>>
    %dma_start3A_48 = arith.constant 0 : i32
    %dma_start3A_49 = tpu.memref_slice %arg6[%dma_start3A_42, %dma_start3A_48] : memref<100x64xi32, #tpu.memory_space<vmem>> -> memref<1x64xi32, #tpu.memory_space<vmem>>
    %dma_start3A_50 = tpu.memref_squeeze %dma_start3A_49 : memref<1x64xi32, #tpu.memory_space<vmem>> -> memref<64xi32, #tpu.memory_space<vmem>>
    %dma_start3A_51 = arith.constant 0 : i32
    %dma_start3A_52 = arith.constant 0 : i32
    %dma_start3A_53 = tpu.memref_slice %arg3[%dma_start3A_51, %dma_start3A_52] : memref<100000x128xf32, #tpu.memory_space<hbm>> -> memref<100000x128xf32, #tpu.memory_space<hbm>>
    tpu.enqueue_indirect_dma source(%dma_start3A_53 : memref<100000x128xf32, #tpu.memory_space<hbm>>) target(%dma_start3A_47 : memref<64x128xf32, #tpu.memory_space<vmem>>) offsets(%dma_start3A_50 : memref<64xi32, #tpu.memory_space<vmem>>) semaphore(%arg12 : memref<!tpu.dma_semaphore, #tpu.memory_space<semaphore_mem>>)
    %dma_start3A_54 = arith.constant 3 : i32
    %dma_start3A_55 = arith.constant 3 : i32
    %dma_start3A_56 = arith.constant 0 : i32
    %dma_start3A_57 = arith.constant 0 : i32
    %dma_start3A_58 = tpu.memref_slice %arg8[%dma_start3A_55, %dma_start3A_56, %dma_start3A_57] : memref<4x64x128xf32, #tpu.memory_space<vmem>> -> memref<1x64x128xf32, #tpu.memory_space<vmem>>
    %dma_start3A_59 = tpu.memref_squeeze %dma_start3A_58 : memref<1x64x128xf32, #tpu.memory_space<vmem>> -> memref<64x128xf32, #tpu.memory_space<vmem>>
    %dma_start3A_60 = arith.constant 0 : i32
    %dma_start3A_61 = tpu.memref_slice %arg6[%dma_start3A_54, %dma_start3A_60] : memref<100x64xi32, #tpu.memory_space<vmem>> -> memref<1x64xi32, #tpu.memory_space<vmem>>
    %dma_start3A_62 = tpu.memref_squeeze %dma_start3A_61 : memref<1x64xi32, #tpu.memory_space<vmem>> -> memref<64xi32, #tpu.memory_space<vmem>>
    %dma_start3A_63 = arith.constant 0 : i32
    %dma_start3A_64 = arith.constant 0 : i32
    %dma_start3A_65 = tpu.memref_slice %arg3[%dma_start3A_63, %dma_start3A_64] : memref<100000x128xf32, #tpu.memory_space<hbm>> -> memref<100000x128xf32, #tpu.memory_space<hbm>>
    tpu.enqueue_indirect_dma source(%dma_start3A_65 : memref<100000x128xf32, #tpu.memory_space<hbm>>) target(%dma_start3A_59 : memref<64x128xf32, #tpu.memory_space<vmem>>) offsets(%dma_start3A_62 : memref<64xi32, #tpu.memory_space<vmem>>) semaphore(%arg13 : memref<!tpu.dma_semaphore, #tpu.memory_space<semaphore_mem>>)
    "tpu.region"() ({
      %run_scoped3A = tpu.sem_alloc : memref<!tpu.dma_semaphore, #tpu.memory_space<semaphore_mem>>
      %dma_start3A_132 = arith.constant 8 : i32
      %dma_start3A_133 = arith.constant 0 : i32
      %dma_start3A_134 = tpu.memref_slice %arg6[%dma_start3A_132, %dma_start3A_133] : memref<100x64xi32, #tpu.memory_space<vmem>> -> memref<92x64xi32, #tpu.memory_space<vmem>>
      %dma_start3A_135 = arith.constant 8 : i32
      %dma_start3A_136 = arith.constant 0 : i32
      %dma_start3A_137 = tpu.memref_slice %arg2[%add3A, %dma_start3A_135, %dma_start3A_136] : memref<32x100x64xi32, #tpu.memory_space<hbm>> -> memref<1x92x64xi32, #tpu.memory_space<hbm>>
      %dma_start3A_138 = tpu.memref_squeeze %dma_start3A_137 : memref<1x92x64xi32, #tpu.memory_space<hbm>> -> memref<92x64xi32, #tpu.memory_space<hbm>>
      %dma_start3A_139 = arith.constant 8 : i32
      %dma_start3A_140 = arith.constant 0 : i32
      %dma_start3A_141 = tpu.memref_slice %arg6[%dma_start3A_139, %dma_start3A_140] : memref<100x64xi32, #tpu.memory_space<vmem>> -> memref<92x64xi32, #tpu.memory_space<vmem>>
      %dma_start3A_142 = arith.constant 8 : i32
      %dma_start3A_143 = arith.constant 0 : i32
      %dma_start3A_144 = tpu.memref_slice %arg2[%add3A, %dma_start3A_142, %dma_start3A_143] : memref<32x100x64xi32, #tpu.memory_space<hbm>> -> memref<1x92x64xi32, #tpu.memory_space<hbm>>
      %dma_start3A_145 = tpu.memref_squeeze %dma_start3A_144 : memref<1x92x64xi32, #tpu.memory_space<hbm>> -> memref<92x64xi32, #tpu.memory_space<hbm>>
      tpu.enqueue_dma source(%dma_start3A_145 : memref<92x64xi32, #tpu.memory_space<hbm>>) target(%dma_start3A_141 : memref<92x64xi32, #tpu.memory_space<vmem>>) target_semaphore(%run_scoped3A : memref<!tpu.dma_semaphore, #tpu.memory_space<semaphore_mem>>)
      %dma_wait3A_146 = arith.constant 8 : i32
      %dma_wait3A_147 = arith.constant 0 : i32
      %dma_wait3A_148 = tpu.memref_slice %arg6[%dma_wait3A_146, %dma_wait3A_147] : memref<100x64xi32, #tpu.memory_space<vmem>> -> memref<92x64xi32, #tpu.memory_space<vmem>>
      %dma_wait3A_149 = arith.constant 8 : i32
      %dma_wait3A_150 = arith.constant 0 : i32
      %dma_wait3A_151 = tpu.memref_slice %arg2[%add3A, %dma_wait3A_149, %dma_wait3A_150] : memref<32x100x64xi32, #tpu.memory_space<hbm>> -> memref<1x92x64xi32, #tpu.memory_space<hbm>>
      %dma_wait3A_152 = tpu.memref_squeeze %dma_wait3A_151 : memref<1x92x64xi32, #tpu.memory_space<hbm>> -> memref<92x64xi32, #tpu.memory_space<hbm>>
      %dma_wait3A_153 = arith.constant 8 : i32
      %dma_wait3A_154 = arith.constant 0 : i32
      %dma_wait3A_155 = tpu.memref_slice %arg6[%dma_wait3A_153, %dma_wait3A_154] : memref<100x64xi32, #tpu.memory_space<vmem>> -> memref<92x64xi32, #tpu.memory_space<vmem>>
      %dma_wait3A_156 = arith.constant 8 : i32
      %dma_wait3A_157 = arith.constant 0 : i32
      %dma_wait3A_158 = tpu.memref_slice %arg2[%add3A, %dma_wait3A_156, %dma_wait3A_157] : memref<32x100x64xi32, #tpu.memory_space<hbm>> -> memref<1x92x64xi32, #tpu.memory_space<hbm>>
      %dma_wait3A_159 = tpu.memref_squeeze %dma_wait3A_158 : memref<1x92x64xi32, #tpu.memory_space<hbm>> -> memref<92x64xi32, #tpu.memory_space<hbm>>
      tpu.wait_dma2 semaphore(%run_scoped3A : memref<!tpu.dma_semaphore, #tpu.memory_space<semaphore_mem>>) src(%dma_wait3A_159 : memref<92x64xi32, #tpu.memory_space<hbm>>) dst(%dma_wait3A_155 : memref<92x64xi32, #tpu.memory_space<vmem>>)
      tpu.yield
    }) : () -> ()
    %mul3A_66 = arith.constant 128 : i32
    %mul3A_67 = arith.muli %select_n3A, %mul3A_66 : i32
    "tpu.region"() ({
      %run_scoped3A = tpu.sem_alloc : memref<!tpu.dma_semaphore, #tpu.memory_space<semaphore_mem>>
      %dma_start3A_132 = tpu.memref_slice %arg4[%mul3A_67] : memref<640000xf32, #tpu.memory_space<hbm>> -> memref<1024xf32, #tpu.memory_space<hbm>>
      %dma_start3A_133 = tpu.memref_slice %arg4[%mul3A_67] : memref<640000xf32, #tpu.memory_space<hbm>> -> memref<1024xf32, #tpu.memory_space<hbm>>
      tpu.enqueue_dma source(%dma_start3A_133 : memref<1024xf32, #tpu.memory_space<hbm>>) target(%arg7 : memref<1024xf32, #tpu.memory_space<vmem>>) target_semaphore(%run_scoped3A : memref<!tpu.dma_semaphore, #tpu.memory_space<semaphore_mem>>)
      %dma_wait3A_134 = tpu.memref_slice %arg4[%mul3A_67] : memref<640000xf32, #tpu.memory_space<hbm>> -> memref<1024xf32, #tpu.memory_space<hbm>>
      %dma_wait3A_135 = tpu.memref_slice %arg4[%mul3A_67] : memref<640000xf32, #tpu.memory_space<hbm>> -> memref<1024xf32, #tpu.memory_space<hbm>>
      tpu.wait_dma2 semaphore(%run_scoped3A : memref<!tpu.dma_semaphore, #tpu.memory_space<semaphore_mem>>) src(%dma_wait3A_135 : memref<1024xf32, #tpu.memory_space<hbm>>) dst(%arg7 : memref<1024xf32, #tpu.memory_space<vmem>>)
      tpu.yield
    }) : () -> ()
    %scan3A = arith.constant 0 : i32
    %scan3A_68 = arith.constant 0 : i32
    %scan3A_69 = arith.constant 25 : i32
    %scan3A_70 = arith.addi %scan3A_68, %scan3A_69 : i32
    %scan3A_71 = arith.constant 1 : i32
    scf.for %scan3A_132 = %scan3A_68 to %scan3A_70 step %scan3A_71  : i32 {
      %mul3A_133 = arith.constant 4 : i32
      %mul3A_134 = arith.muli %scan3A_132, %mul3A_133 : i32
      %add3A_135 = arith.constant 0 : i32
      %add3A_136 = arith.addi %mul3A_134, %add3A_135 : i32
      %mul3A_137 = arith.constant 64 : i32
      %mul3A_138 = arith.muli %add3A_136, %mul3A_137 : i32
      %add3A_139 = arith.addi %mul3A_2, %mul3A_138 : i32
      %dma_wait3A_140 = arith.constant 0 : i32
      %dma_wait3A_141 = arith.constant 0 : i32
      %dma_wait3A_142 = arith.constant 0 : i32
      %dma_wait3A_143 = arith.constant 0 : i32
      %dma_wait3A_144 = tpu.memref_slice %arg8[%dma_wait3A_141, %dma_wait3A_142, %dma_wait3A_143] : memref<4x64x128xf32, #tpu.memory_space<vmem>> -> memref<1x64x128xf32, #tpu.memory_space<vmem>>
      %dma_wait3A_145 = tpu.memref_squeeze %dma_wait3A_144 : memref<1x64x128xf32, #tpu.memory_space<vmem>> -> memref<64x128xf32, #tpu.memory_space<vmem>>
      %dma_wait3A_146 = arith.constant 0 : i32
      %dma_wait3A_147 = tpu.memref_slice %arg6[%dma_wait3A_140, %dma_wait3A_146] : memref<100x64xi32, #tpu.memory_space<vmem>> -> memref<1x64xi32, #tpu.memory_space<vmem>>
      %dma_wait3A_148 = tpu.memref_squeeze %dma_wait3A_147 : memref<1x64xi32, #tpu.memory_space<vmem>> -> memref<64xi32, #tpu.memory_space<vmem>>
      %dma_wait3A_149 = arith.constant 0 : i32
      %dma_wait3A_150 = arith.constant 0 : i32
      %dma_wait3A_151 = tpu.memref_slice %arg3[%dma_wait3A_149, %dma_wait3A_150] : memref<100000x128xf32, #tpu.memory_space<hbm>> -> memref<100000x128xf32, #tpu.memory_space<hbm>>
      tpu.wait_indirect_dma semaphore(%arg10 : memref<!tpu.dma_semaphore, #tpu.memory_space<semaphore_mem>>) src(%dma_wait3A_151 : memref<100000x128xf32, #tpu.memory_space<hbm>>) dst(%dma_wait3A_145 : memref<64x128xf32, #tpu.memory_space<vmem>>)
      %ge3A = arith.constant 4 : i32
      %ge3A_152 = arith.cmpi sge, %add3A_136, %ge3A : i32
      %convert_element_type3A = arith.extui %ge3A_152 : i1 to i32
      %cond3A = arith.constant 0 : i32
      %cond3A_153 = arith.cmpi ne, %convert_element_type3A, %cond3A : i32
      scf.if %cond3A_153 {
        %dma_wait3A_648 = arith.constant 0 : i32
        %dma_wait3A_649 = arith.constant 0 : i32
        %dma_wait3A_650 = arith.constant 0 : i32
        %dma_wait3A_651 = tpu.memref_slice %arg9[%dma_wait3A_648, %dma_wait3A_649, %dma_wait3A_650] : memref<4x64x128xf32, #tpu.memory_space<vmem>> -> memref<1x64x128xf32, #tpu.memory_space<vmem>>
        %dma_wait3A_652 = tpu.memref_squeeze %dma_wait3A_651 : memref<1x64x128xf32, #tpu.memory_space<vmem>> -> memref<64x128xf32, #tpu.memory_space<vmem>>
        %dma_wait3A_653 = arith.constant 0 : i32
        %dma_wait3A_654 = arith.constant 0 : i32
        %dma_wait3A_655 = tpu.memref_slice %arg5[%dma_wait3A_653, %dma_wait3A_654] : memref<204800x128xf32, #tpu.memory_space<hbm>> -> memref<64x128xf32, #tpu.memory_space<hbm>>
        %dma_wait3A_656 = arith.constant 0 : i32
        %dma_wait3A_657 = arith.constant 0 : i32
        %dma_wait3A_658 = tpu.memref_slice %arg5[%dma_wait3A_656, %dma_wait3A_657] : memref<204800x128xf32, #tpu.memory_space<hbm>> -> memref<64x128xf32, #tpu.memory_space<hbm>>
        %dma_wait3A_659 = arith.constant 0 : i32
        %dma_wait3A_660 = arith.constant 0 : i32
        %dma_wait3A_661 = tpu.memref_slice %arg9[%dma_wait3A_648, %dma_wait3A_659, %dma_wait3A_660] : memref<4x64x128xf32, #tpu.memory_space<vmem>> -> memref<1x64x128xf32, #tpu.memory_space<vmem>>
        %dma_wait3A_662 = tpu.memref_squeeze %dma_wait3A_661 : memref<1x64x128xf32, #tpu.memory_space<vmem>> -> memref<64x128xf32, #tpu.memory_space<vmem>>
        tpu.wait_dma2 semaphore(%arg14 : memref<!tpu.dma_semaphore, #tpu.memory_space<semaphore_mem>>) src(%dma_wait3A_662 : memref<64x128xf32, #tpu.memory_space<vmem>>) dst(%dma_wait3A_658 : memref<64x128xf32, #tpu.memory_space<hbm>>)
      } else {
      }
      %jit3A_154 = arith.constant 1024 : i32
      %div3A_155 = arith.divsi %add3A_139, %jit3A_154 : i32
      %sign3A_156 = arith.constant 0 : i32
      %sign3A_157 = arith.cmpi sgt, %add3A_139, %sign3A_156 : i32
      %sign3A_158 = arith.extui %sign3A_157 : i1 to i32
      %sign3A_159 = arith.constant 0 : i32
      %sign3A_160 = arith.cmpi slt, %add3A_139, %sign3A_159 : i32
      %sign3A_161 = arith.extui %sign3A_160 : i1 to i32
      %sign3A_162 = arith.subi %sign3A_158, %sign3A_161 : i32
      %sign3A_163 = arith.constant 0 : i32
      %sign3A_164 = arith.cmpi sgt, %jit3A_154, %sign3A_163 : i32
      %sign3A_165 = arith.extui %sign3A_164 : i1 to i32
      %sign3A_166 = arith.constant 0 : i32
      %sign3A_167 = arith.cmpi slt, %jit3A_154, %sign3A_166 : i32
      %sign3A_168 = arith.extui %sign3A_167 : i1 to i32
      %sign3A_169 = arith.subi %sign3A_165, %sign3A_168 : i32
      %ne3A_170 = arith.cmpi ne, %sign3A_162, %sign3A_169 : i32
      %rem3A_171 = arith.remsi %add3A_139, %jit3A_154 : i32
      %ne3A_172 = arith.constant 0 : i32
      %ne3A_173 = arith.cmpi ne, %rem3A_171, %ne3A_172 : i32
      %and3A_174 = arith.andi %ne3A_170, %ne3A_173 : i1
      %sub3A_175 = arith.constant 1 : i32
      %sub3A_176 = arith.subi %div3A_155, %sub3A_175 : i32
      %select_n3A_177 = arith.select %and3A_174, %sub3A_176, %div3A_155 : i32
      %sub3A_178 = arith.subi %select_n3A_177, %select_n3A : i32
      %mul3A_179 = arith.constant 128 : i32
      %mul3A_180 = arith.muli %sub3A_178, %mul3A_179 : i32
      %add3A_181 = arith.constant 0 : i32
      %add3A_182 = arith.addi %mul3A_180, %add3A_181 : i32
      %get3A = arith.index_cast %add3A_182 : i32 to index
      %get3A_183 = tpu.vector_load %arg7[%get3A] {strides = array<i32>} : memref<1024xf32, #tpu.memory_space<vmem>>, vector<16xf32>,
      %get3A_184 = vector.shape_cast %get3A_183 : vector<16xf32> to vector<16xf32>
      %mul3A_185 = arith.constant 128 : i32
      %mul3A_186 = arith.muli %sub3A_178, %mul3A_185 : i32
      %add3A_187 = arith.constant 16 : i32
      %add3A_188 = arith.addi %mul3A_186, %add3A_187 : i32
      %get3A_189 = arith.index_cast %add3A_188 : i32 to index
      %get3A_190 = tpu.vector_load %arg7[%get3A_189] {strides = array<i32>} : memref<1024xf32, #tpu.memory_space<vmem>>, vector<16xf32>,
      %get3A_191 = vector.shape_cast %get3A_190 : vector<16xf32> to vector<16xf32>
      %mul3A_192 = arith.constant 128 : i32
      %mul3A_193 = arith.muli %sub3A_178, %mul3A_192 : i32
      %add3A_194 = arith.constant 32 : i32
      %add3A_195 = arith.addi %mul3A_193, %add3A_194 : i32
      %get3A_196 = arith.index_cast %add3A_195 : i32 to index
      %get3A_197 = tpu.vector_load %arg7[%get3A_196] {strides = array<i32>} : memref<1024xf32, #tpu.memory_space<vmem>>, vector<16xf32>,
      %get3A_198 = vector.shape_cast %get3A_197 : vector<16xf32> to vector<16xf32>
      %mul3A_199 = arith.constant 128 : i32
      %mul3A_200 = arith.muli %sub3A_178, %mul3A_199 : i32
      %add3A_201 = arith.constant 48 : i32
      %add3A_202 = arith.addi %mul3A_200, %add3A_201 : i32
      %get3A_203 = arith.index_cast %add3A_202 : i32 to index
      %get3A_204 = tpu.vector_load %arg7[%get3A_203] {strides = array<i32>} : memref<1024xf32, #tpu.memory_space<vmem>>, vector<16xf32>,
      %get3A_205 = vector.shape_cast %get3A_204 : vector<16xf32> to vector<16xf32>
      %mul3A_206 = arith.constant 128 : i32
      %mul3A_207 = arith.muli %sub3A_178, %mul3A_206 : i32
      %add3A_208 = arith.constant 64 : i32
      %add3A_209 = arith.addi %mul3A_207, %add3A_208 : i32
      %get3A_210 = arith.index_cast %add3A_209 : i32 to index
      %get3A_211 = tpu.vector_load %arg7[%get3A_210] {strides = array<i32>} : memref<1024xf32, #tpu.memory_space<vmem>>, vector<16xf32>,
      %get3A_212 = vector.shape_cast %get3A_211 : vector<16xf32> to vector<16xf32>
      %mul3A_213 = arith.constant 128 : i32
      %mul3A_214 = arith.muli %sub3A_178, %mul3A_213 : i32
      %add3A_215 = arith.constant 80 : i32
      %add3A_216 = arith.addi %mul3A_214, %add3A_215 : i32
      %get3A_217 = arith.index_cast %add3A_216 : i32 to index
      %get3A_218 = tpu.vector_load %arg7[%get3A_217] {strides = array<i32>} : memref<1024xf32, #tpu.memory_space<vmem>>, vector<16xf32>,
      %get3A_219 = vector.shape_cast %get3A_218 : vector<16xf32> to vector<16xf32>
      %mul3A_220 = arith.constant 128 : i32
      %mul3A_221 = arith.muli %sub3A_178, %mul3A_220 : i32
      %add3A_222 = arith.constant 96 : i32
      %add3A_223 = arith.addi %mul3A_221, %add3A_222 : i32
      %get3A_224 = arith.index_cast %add3A_223 : i32 to index
      %get3A_225 = tpu.vector_load %arg7[%get3A_224] {strides = array<i32>} : memref<1024xf32, #tpu.memory_space<vmem>>, vector<16xf32>,
      %get3A_226 = vector.shape_cast %get3A_225 : vector<16xf32> to vector<16xf32>
      %mul3A_227 = arith.constant 128 : i32
      %mul3A_228 = arith.muli %sub3A_178, %mul3A_227 : i32
      %add3A_229 = arith.constant 112 : i32
      %add3A_230 = arith.addi %mul3A_228, %add3A_229 : i32
      %get3A_231 = arith.index_cast %add3A_230 : i32 to index
      %get3A_232 = tpu.vector_load %arg7[%get3A_231] {strides = array<i32>} : memref<1024xf32, #tpu.memory_space<vmem>>, vector<16xf32>,
      %get3A_233 = vector.shape_cast %get3A_232 : vector<16xf32> to vector<16xf32>
      %scan3A_234 = arith.constant 0 : i32
      %scan3A_235 = arith.constant 64 : i32
      %scan3A_236 = arith.addi %scan3A_234, %scan3A_235 : i32
      %scan3A_237 = arith.constant 1 : i32
      scf.for %scan3A_648 = %scan3A_234 to %scan3A_236 step %scan3A_237  : i32 {
        %get3A_649 = arith.constant 0 : i32
        %get3A_650 = arith.constant 0 : i32
        %get3A_651 = arith.constant 0 : i32
        %get3A_652 = tpu.memref_slice %arg8[%get3A_649, %get3A_650, %get3A_651] : memref<4x64x128xf32, #tpu.memory_space<vmem>> -> memref<1x64x128xf32, #tpu.memory_space<vmem>>
        %get3A_653 = tpu.memref_squeeze %get3A_652 : memref<1x64x128xf32, #tpu.memory_space<vmem>> -> memref<64x128xf32, #tpu.memory_space<vmem>>
        %get3A_654 = arith.index_cast %scan3A_648 : i32 to index
        %get3A_655 = arith.constant 0 : index
        %get3A_656 = tpu.vector_load %get3A_653[%get3A_654, %get3A_655] {strides = array<i32>} : memref<64x128xf32, #tpu.memory_space<vmem>>, vector<1x16xf32>,
        %get3A_657 = vector.shape_cast %get3A_656 : vector<1x16xf32> to vector<16xf32>
        %add3A_658 = arith.addf %get3A_657, %get3A_184 : vector<16xf32>
        %swap3A = arith.constant 0 : i32
        %swap3A_659 = arith.constant 0 : i32
        %swap3A_660 = arith.constant 0 : i32
        %swap3A_661 = tpu.memref_slice %arg9[%swap3A, %swap3A_659, %swap3A_660] : memref<4x64x128xf32, #tpu.memory_space<vmem>> -> memref<1x64x128xf32, #tpu.memory_space<vmem>>
        %swap3A_662 = tpu.memref_squeeze %swap3A_661 : memref<1x64x128xf32, #tpu.memory_space<vmem>> -> memref<64x128xf32, #tpu.memory_space<vmem>>
        %swap3A_663 = arith.index_cast %scan3A_648 : i32 to index
        %swap3A_664 = arith.constant 0 : index
        %swap3A_665 = tpu.vector_load %swap3A_662[%swap3A_663, %swap3A_664] {strides = array<i32>} : memref<64x128xf32, #tpu.memory_space<vmem>>, vector<1x16xf32>,
        %swap3A_666 = vector.shape_cast %swap3A_665 : vector<1x16xf32> to vector<16xf32>
        %swap3A_667 = vector.shape_cast %add3A_658 : vector<16xf32> to vector<1x16xf32>
        tpu.vector_store %swap3A_662[%swap3A_663, %swap3A_664], %swap3A_667 {strides = array<i32>} : memref<64x128xf32, #tpu.memory_space<vmem>>, vector<1x16xf32>,
        %get3A_668 = arith.constant 0 : i32
        %get3A_669 = arith.constant 0 : i32
        %get3A_670 = arith.constant 0 : i32
        %get3A_671 = tpu.memref_slice %arg8[%get3A_668, %get3A_669, %get3A_670] : memref<4x64x128xf32, #tpu.memory_space<vmem>> -> memref<1x64x128xf32, #tpu.memory_space<vmem>>
        %get3A_672 = tpu.memref_squeeze %get3A_671 : memref<1x64x128xf32, #tpu.memory_space<vmem>> -> memref<64x128xf32, #tpu.memory_space<vmem>>
        %get3A_673 = arith.index_cast %scan3A_648 : i32 to index
        %get3A_674 = arith.constant 16 : index
        %get3A_675 = tpu.vector_load %get3A_672[%get3A_673, %get3A_674] {strides = array<i32>} : memref<64x128xf32, #tpu.memory_space<vmem>>, vector<1x16xf32>,
        %get3A_676 = vector.shape_cast %get3A_675 : vector<1x16xf32> to vector<16xf32>
        %add3A_677 = arith.addf %get3A_676, %get3A_191 : vector<16xf32>
        %swap3A_678 = arith.constant 0 : i32
        %swap3A_679 = arith.constant 0 : i32
        %swap3A_680 = arith.constant 0 : i32
        %swap3A_681 = tpu.memref_slice %arg9[%swap3A_678, %swap3A_679, %swap3A_680] : memref<4x64x128xf32, #tpu.memory_space<vmem>> -> memref<1x64x128xf32, #tpu.memory_space<vmem>>
        %swap3A_682 = tpu.memref_squeeze %swap3A_681 : memref<1x64x128xf32, #tpu.memory_space<vmem>> -> memref<64x128xf32, #tpu.memory_space<vmem>>
        %swap3A_683 = arith.index_cast %scan3A_648 : i32 to index
        %swap3A_684 = arith.constant 16 : index
        %swap3A_685 = tpu.vector_load %swap3A_682[%swap3A_683, %swap3A_684] {strides = array<i32>} : memref<64x128xf32, #tpu.memory_space<vmem>>, vector<1x16xf32>,
        %swap3A_686 = vector.shape_cast %swap3A_685 : vector<1x16xf32> to vector<16xf32>
        %swap3A_687 = vector.shape_cast %add3A_677 : vector<16xf32> to vector<1x16xf32>
        tpu.vector_store %swap3A_682[%swap3A_683, %swap3A_684], %swap3A_687 {strides = array<i32>} : memref<64x128xf32, #tpu.memory_space<vmem>>, vector<1x16xf32>,
        %get3A_688 = arith.constant 0 : i32
        %get3A_689 = arith.constant 0 : i32
        %get3A_690 = arith.constant 0 : i32
        %get3A_691 = tpu.memref_slice %arg8[%get3A_688, %get3A_689, %get3A_690] : memref<4x64x128xf32, #tpu.memory_space<vmem>> -> memref<1x64x128xf32, #tpu.memory_space<vmem>>
        %get3A_692 = tpu.memref_squeeze %get3A_691 : memref<1x64x128xf32, #tpu.memory_space<vmem>> -> memref<64x128xf32, #tpu.memory_space<vmem>>
        %get3A_693 = arith.index_cast %scan3A_648 : i32 to index
        %get3A_694 = arith.constant 32 : index
        %get3A_695 = tpu.vector_load %get3A_692[%get3A_693, %get3A_694] {strides = array<i32>} : memref<64x128xf32, #tpu.memory_space<vmem>>, vector<1x16xf32>,
        %get3A_696 = vector.shape_cast %get3A_695 : vector<1x16xf32> to vector<16xf32>
        %add3A_697 = arith.addf %get3A_696, %get3A_198 : vector<16xf32>
        %swap3A_698 = arith.constant 0 : i32
        %swap3A_699 = arith.constant 0 : i32
        %swap3A_700 = arith.constant 0 : i32
        %swap3A_701 = tpu.memref_slice %arg9[%swap3A_698, %swap3A_699, %swap3A_700] : memref<4x64x128xf32, #tpu.memory_space<vmem>> -> memref<1x64x128xf32, #tpu.memory_space<vmem>>
        %swap3A_702 = tpu.memref_squeeze %swap3A_701 : memref<1x64x128xf32, #tpu.memory_space<vmem>> -> memref<64x128xf32, #tpu.memory_space<vmem>>
        %swap3A_703 = arith.index_cast %scan3A_648 : i32 to index
        %swap3A_704 = arith.constant 32 : index
        %swap3A_705 = tpu.vector_load %swap3A_702[%swap3A_703, %swap3A_704] {strides = array<i32>} : memref<64x128xf32, #tpu.memory_space<vmem>>, vector<1x16xf32>,
        %swap3A_706 = vector.shape_cast %swap3A_705 : vector<1x16xf32> to vector<16xf32>
        %swap3A_707 = vector.shape_cast %add3A_697 : vector<16xf32> to vector<1x16xf32>
        tpu.vector_store %swap3A_702[%swap3A_703, %swap3A_704], %swap3A_707 {strides = array<i32>} : memref<64x128xf32, #tpu.memory_space<vmem>>, vector<1x16xf32>,
        %get3A_708 = arith.constant 0 : i32
        %get3A_709 = arith.constant 0 : i32
        %get3A_710 = arith.constant 0 : i32
        %get3A_711 = tpu.memref_slice %arg8[%get3A_708, %get3A_709, %get3A_710] : memref<4x64x128xf32, #tpu.memory_space<vmem>> -> memref<1x64x128xf32, #tpu.memory_space<vmem>>
        %get3A_712 = tpu.memref_squeeze %get3A_711 : memref<1x64x128xf32, #tpu.memory_space<vmem>> -> memref<64x128xf32, #tpu.memory_space<vmem>>
        %get3A_713 = arith.index_cast %scan3A_648 : i32 to index
        %get3A_714 = arith.constant 48 : index
        %get3A_715 = tpu.vector_load %get3A_712[%get3A_713, %get3A_714] {strides = array<i32>} : memref<64x128xf32, #tpu.memory_space<vmem>>, vector<1x16xf32>,
        %get3A_716 = vector.shape_cast %get3A_715 : vector<1x16xf32> to vector<16xf32>
        %add3A_717 = arith.addf %get3A_716, %get3A_205 : vector<16xf32>
        %swap3A_718 = arith.constant 0 : i32
        %swap3A_719 = arith.constant 0 : i32
        %swap3A_720 = arith.constant 0 : i32
        %swap3A_721 = tpu.memref_slice %arg9[%swap3A_718, %swap3A_719, %swap3A_720] : memref<4x64x128xf32, #tpu.memory_space<vmem>> -> memref<1x64x128xf32, #tpu.memory_space<vmem>>
        %swap3A_722 = tpu.memref_squeeze %swap3A_721 : memref<1x64x128xf32, #tpu.memory_space<vmem>> -> memref<64x128xf32, #tpu.memory_space<vmem>>
        %swap3A_723 = arith.index_cast %scan3A_648 : i32 to index
        %swap3A_724 = arith.constant 48 : index
        %swap3A_725 = tpu.vector_load %swap3A_722[%swap3A_723, %swap3A_724] {strides = array<i32>} : memref<64x128xf32, #tpu.memory_space<vmem>>, vector<1x16xf32>,
        %swap3A_726 = vector.shape_cast %swap3A_725 : vector<1x16xf32> to vector<16xf32>
        %swap3A_727 = vector.shape_cast %add3A_717 : vector<16xf32> to vector<1x16xf32>
        tpu.vector_store %swap3A_722[%swap3A_723, %swap3A_724], %swap3A_727 {strides = array<i32>} : memref<64x128xf32, #tpu.memory_space<vmem>>, vector<1x16xf32>,
        %get3A_728 = arith.constant 0 : i32
        %get3A_729 = arith.constant 0 : i32
        %get3A_730 = arith.constant 0 : i32
        %get3A_731 = tpu.memref_slice %arg8[%get3A_728, %get3A_729, %get3A_730] : memref<4x64x128xf32, #tpu.memory_space<vmem>> -> memref<1x64x128xf32, #tpu.memory_space<vmem>>
        %get3A_732 = tpu.memref_squeeze %get3A_731 : memref<1x64x128xf32, #tpu.memory_space<vmem>> -> memref<64x128xf32, #tpu.memory_space<vmem>>
        %get3A_733 = arith.index_cast %scan3A_648 : i32 to index
        %get3A_734 = arith.constant 64 : index
        %get3A_735 = tpu.vector_load %get3A_732[%get3A_733, %get3A_734] {strides = array<i32>} : memref<64x128xf32, #tpu.memory_space<vmem>>, vector<1x16xf32>,
        %get3A_736 = vector.shape_cast %get3A_735 : vector<1x16xf32> to vector<16xf32>
        %add3A_737 = arith.addf %get3A_736, %get3A_212 : vector<16xf32>
        %swap3A_738 = arith.constant 0 : i32
        %swap3A_739 = arith.constant 0 : i32
        %swap3A_740 = arith.constant 0 : i32
        %swap3A_741 = tpu.memref_slice %arg9[%swap3A_738, %swap3A_739, %swap3A_740] : memref<4x64x128xf32, #tpu.memory_space<vmem>> -> memref<1x64x128xf32, #tpu.memory_space<vmem>>
        %swap3A_742 = tpu.memref_squeeze %swap3A_741 : memref<1x64x128xf32, #tpu.memory_space<vmem>> -> memref<64x128xf32, #tpu.memory_space<vmem>>
        %swap3A_743 = arith.index_cast %scan3A_648 : i32 to index
        %swap3A_744 = arith.constant 64 : index
        %swap3A_745 = tpu.vector_load %swap3A_742[%swap3A_743, %swap3A_744] {strides = array<i32>} : memref<64x128xf32, #tpu.memory_space<vmem>>, vector<1x16xf32>,
        %swap3A_746 = vector.shape_cast %swap3A_745 : vector<1x16xf32> to vector<16xf32>
        %swap3A_747 = vector.shape_cast %add3A_737 : vector<16xf32> to vector<1x16xf32>
        tpu.vector_store %swap3A_742[%swap3A_743, %swap3A_744], %swap3A_747 {strides = array<i32>} : memref<64x128xf32, #tpu.memory_space<vmem>>, vector<1x16xf32>,
        %get3A_748 = arith.constant 0 : i32
        %get3A_749 = arith.constant 0 : i32
        %get3A_750 = arith.constant 0 : i32
        %get3A_751 = tpu.memref_slice %arg8[%get3A_748, %get3A_749, %get3A_750] : memref<4x64x128xf32, #tpu.memory_space<vmem>> -> memref<1x64x128xf32, #tpu.memory_space<vmem>>
        %get3A_752 = tpu.memref_squeeze %get3A_751 : memref<1x64x128xf32, #tpu.memory_space<vmem>> -> memref<64x128xf32, #tpu.memory_space<vmem>>
        %get3A_753 = arith.index_cast %scan3A_648 : i32 to index
        %get3A_754 = arith.constant 80 : index
        %get3A_755 = tpu.vector_load %get3A_752[%get3A_753, %get3A_754] {strides = array<i32>} : memref<64x128xf32, #tpu.memory_space<vmem>>, vector<1x16xf32>,
        %get3A_756 = vector.shape_cast %get3A_755 : vector<1x16xf32> to vector<16xf32>
        %add3A_757 = arith.addf %get3A_756, %get3A_219 : vector<16xf32>
        %swap3A_758 = arith.constant 0 : i32
        %swap3A_759 = arith.constant 0 : i32
        %swap3A_760 = arith.constant 0 : i32
        %swap3A_761 = tpu.memref_slice %arg9[%swap3A_758, %swap3A_759, %swap3A_760] : memref<4x64x128xf32, #tpu.memory_space<vmem>> -> memref<1x64x128xf32, #tpu.memory_space<vmem>>
        %swap3A_762 = tpu.memref_squeeze %swap3A_761 : memref<1x64x128xf32, #tpu.memory_space<vmem>> -> memref<64x128xf32, #tpu.memory_space<vmem>>
        %swap3A_763 = arith.index_cast %scan3A_648 : i32 to index
        %swap3A_764 = arith.constant 80 : index
        %swap3A_765 = tpu.vector_load %swap3A_762[%swap3A_763, %swap3A_764] {strides = array<i32>} : memref<64x128xf32, #tpu.memory_space<vmem>>, vector<1x16xf32>,
        %swap3A_766 = vector.shape_cast %swap3A_765 : vector<1x16xf32> to vector<16xf32>
        %swap3A_767 = vector.shape_cast %add3A_757 : vector<16xf32> to vector<1x16xf32>
        tpu.vector_store %swap3A_762[%swap3A_763, %swap3A_764], %swap3A_767 {strides = array<i32>} : memref<64x128xf32, #tpu.memory_space<vmem>>, vector<1x16xf32>,
        %get3A_768 = arith.constant 0 : i32
        %get3A_769 = arith.constant 0 : i32
        %get3A_770 = arith.constant 0 : i32
        %get3A_771 = tpu.memref_slice %arg8[%get3A_768, %get3A_769, %get3A_770] : memref<4x64x128xf32, #tpu.memory_space<vmem>> -> memref<1x64x128xf32, #tpu.memory_space<vmem>>
        %get3A_772 = tpu.memref_squeeze %get3A_771 : memref<1x64x128xf32, #tpu.memory_space<vmem>> -> memref<64x128xf32, #tpu.memory_space<vmem>>
        %get3A_773 = arith.index_cast %scan3A_648 : i32 to index
        %get3A_774 = arith.constant 96 : index
        %get3A_775 = tpu.vector_load %get3A_772[%get3A_773, %get3A_774] {strides = array<i32>} : memref<64x128xf32, #tpu.memory_space<vmem>>, vector<1x16xf32>,
        %get3A_776 = vector.shape_cast %get3A_775 : vector<1x16xf32> to vector<16xf32>
        %add3A_777 = arith.addf %get3A_776, %get3A_226 : vector<16xf32>
        %swap3A_778 = arith.constant 0 : i32
        %swap3A_779 = arith.constant 0 : i32
        %swap3A_780 = arith.constant 0 : i32
        %swap3A_781 = tpu.memref_slice %arg9[%swap3A_778, %swap3A_779, %swap3A_780] : memref<4x64x128xf32, #tpu.memory_space<vmem>> -> memref<1x64x128xf32, #tpu.memory_space<vmem>>
        %swap3A_782 = tpu.memref_squeeze %swap3A_781 : memref<1x64x128xf32, #tpu.memory_space<vmem>> -> memref<64x128xf32, #tpu.memory_space<vmem>>
        %swap3A_783 = arith.index_cast %scan3A_648 : i32 to index
        %swap3A_784 = arith.constant 96 : index
        %swap3A_785 = tpu.vector_load %swap3A_782[%swap3A_783, %swap3A_784] {strides = array<i32>} : memref<64x128xf32, #tpu.memory_space<vmem>>, vector<1x16xf32>,
        %swap3A_786 = vector.shape_cast %swap3A_785 : vector<1x16xf32> to vector<16xf32>
        %swap3A_787 = vector.shape_cast %add3A_777 : vector<16xf32> to vector<1x16xf32>
        tpu.vector_store %swap3A_782[%swap3A_783, %swap3A_784], %swap3A_787 {strides = array<i32>} : memref<64x128xf32, #tpu.memory_space<vmem>>, vector<1x16xf32>,
        %get3A_788 = arith.constant 0 : i32
        %get3A_789 = arith.constant 0 : i32
        %get3A_790 = arith.constant 0 : i32
        %get3A_791 = tpu.memref_slice %arg8[%get3A_788, %get3A_789, %get3A_790] : memref<4x64x128xf32, #tpu.memory_space<vmem>> -> memref<1x64x128xf32, #tpu.memory_space<vmem>>
        %get3A_792 = tpu.memref_squeeze %get3A_791 : memref<1x64x128xf32, #tpu.memory_space<vmem>> -> memref<64x128xf32, #tpu.memory_space<vmem>>
        %get3A_793 = arith.index_cast %scan3A_648 : i32 to index
        %get3A_794 = arith.constant 112 : index
        %get3A_795 = tpu.vector_load %get3A_792[%get3A_793, %get3A_794] {strides = array<i32>} : memref<64x128xf32, #tpu.memory_space<vmem>>, vector<1x16xf32>,
        %get3A_796 = vector.shape_cast %get3A_795 : vector<1x16xf32> to vector<16xf32>
        %add3A_797 = arith.addf %get3A_796, %get3A_233 : vector<16xf32>
        %swap3A_798 = arith.constant 0 : i32
        %swap3A_799 = arith.constant 0 : i32
        %swap3A_800 = arith.constant 0 : i32
        %swap3A_801 = tpu.memref_slice %arg9[%swap3A_798, %swap3A_799, %swap3A_800] : memref<4x64x128xf32, #tpu.memory_space<vmem>> -> memref<1x64x128xf32, #tpu.memory_space<vmem>>
        %swap3A_802 = tpu.memref_squeeze %swap3A_801 : memref<1x64x128xf32, #tpu.memory_space<vmem>> -> memref<64x128xf32, #tpu.memory_space<vmem>>
        %swap3A_803 = arith.index_cast %scan3A_648 : i32 to index
        %swap3A_804 = arith.constant 112 : index
        %swap3A_805 = tpu.vector_load %swap3A_802[%swap3A_803, %swap3A_804] {strides = array<i32>} : memref<64x128xf32, #tpu.memory_space<vmem>>, vector<1x16xf32>,
        %swap3A_806 = vector.shape_cast %swap3A_805 : vector<1x16xf32> to vector<16xf32>
        %swap3A_807 = vector.shape_cast %add3A_797 : vector<16xf32> to vector<1x16xf32>
        tpu.vector_store %swap3A_802[%swap3A_803, %swap3A_804], %swap3A_807 {strides = array<i32>} : memref<64x128xf32, #tpu.memory_space<vmem>>, vector<1x16xf32>,
      }
      %scan3A_238 = arith.constant 64 : i32
      %dma_start3A_239 = arith.constant 0 : i32
      %dma_start3A_240 = arith.constant 0 : i32
      %dma_start3A_241 = arith.constant 0 : i32
      %dma_start3A_242 = tpu.memref_slice %arg9[%dma_start3A_239, %dma_start3A_240, %dma_start3A_241] : memref<4x64x128xf32, #tpu.memory_space<vmem>> -> memref<1x64x128xf32, #tpu.memory_space<vmem>>
      %dma_start3A_243 = tpu.memref_squeeze %dma_start3A_242 : memref<1x64x128xf32, #tpu.memory_space<vmem>> -> memref<64x128xf32, #tpu.memory_space<vmem>>
      %dma_start3A_244 = arith.constant 0 : i32
      %dma_start3A_245 = tpu.memref_slice %arg5[%add3A_139, %dma_start3A_244] : memref<204800x128xf32, #tpu.memory_space<hbm>> -> memref<64x128xf32, #tpu.memory_space<hbm>>
      %dma_start3A_246 = arith.constant 0 : i32
      %dma_start3A_247 = tpu.memref_slice %arg5[%add3A_139, %dma_start3A_246] : memref<204800x128xf32, #tpu.memory_space<hbm>> -> memref<64x128xf32, #tpu.memory_space<hbm>>
      %dma_start3A_248 = arith.constant 0 : i32
      %dma_start3A_249 = arith.constant 0 : i32
      %dma_start3A_250 = tpu.memref_slice %arg9[%dma_start3A_239, %dma_start3A_248, %dma_start3A_249] : memref<4x64x128xf32, #tpu.memory_space<vmem>> -> memref<1x64x128xf32, #tpu.memory_space<vmem>>
      %dma_start3A_251 = tpu.memref_squeeze %dma_start3A_250 : memref<1x64x128xf32, #tpu.memory_space<vmem>> -> memref<64x128xf32, #tpu.memory_space<vmem>>
      tpu.enqueue_dma source(%dma_start3A_251 : memref<64x128xf32, #tpu.memory_space<vmem>>) target(%dma_start3A_247 : memref<64x128xf32, #tpu.memory_space<hbm>>) target_semaphore(%arg14 : memref<!tpu.dma_semaphore, #tpu.memory_space<semaphore_mem>>)
      %add3A_252 = arith.constant 4 : i32
      %add3A_253 = arith.addi %add3A_136, %add3A_252 : i32
      %lt3A = arith.constant 100 : i32
      %lt3A_254 = arith.cmpi slt, %add3A_253, %lt3A : i32
      %convert_element_type3A_255 = arith.extui %lt3A_254 : i1 to i32
      %cond3A_256 = arith.constant 0 : i32
      %cond3A_257 = arith.cmpi ne, %convert_element_type3A_255, %cond3A_256 : i32
      scf.if %cond3A_257 {
        %add3A_648 = arith.constant 4 : i32
        %add3A_649 = arith.addi %add3A_136, %add3A_648 : i32
        %dma_start3A_650 = arith.constant 0 : i32
        %dma_start3A_651 = arith.constant 0 : i32
        %dma_start3A_652 = arith.constant 0 : i32
        %dma_start3A_653 = tpu.memref_slice %arg8[%dma_start3A_650, %dma_start3A_651, %dma_start3A_652] : memref<4x64x128xf32, #tpu.memory_space<vmem>> -> memref<1x64x128xf32, #tpu.memory_space<vmem>>
        %dma_start3A_654 = tpu.memref_squeeze %dma_start3A_653 : memref<1x64x128xf32, #tpu.memory_space<vmem>> -> memref<64x128xf32, #tpu.memory_space<vmem>>
        %dma_start3A_655 = arith.constant 0 : i32
        %dma_start3A_656 = tpu.memref_slice %arg6[%add3A_649, %dma_start3A_655] : memref<100x64xi32, #tpu.memory_space<vmem>> -> memref<1x64xi32, #tpu.memory_space<vmem>>
        %dma_start3A_657 = tpu.memref_squeeze %dma_start3A_656 : memref<1x64xi32, #tpu.memory_space<vmem>> -> memref<64xi32, #tpu.memory_space<vmem>>
        %dma_start3A_658 = arith.constant 0 : i32
        %dma_start3A_659 = arith.constant 0 : i32
        %dma_start3A_660 = tpu.memref_slice %arg3[%dma_start3A_658, %dma_start3A_659] : memref<100000x128xf32, #tpu.memory_space<hbm>> -> memref<100000x128xf32, #tpu.memory_space<hbm>>
        tpu.enqueue_indirect_dma source(%dma_start3A_660 : memref<100000x128xf32, #tpu.memory_space<hbm>>) target(%dma_start3A_654 : memref<64x128xf32, #tpu.memory_space<vmem>>) offsets(%dma_start3A_657 : memref<64xi32, #tpu.memory_space<vmem>>) semaphore(%arg10 : memref<!tpu.dma_semaphore, #tpu.memory_space<semaphore_mem>>)
      } else {
      }
      %mul3A_258 = arith.constant 4 : i32
      %mul3A_259 = arith.muli %scan3A_132, %mul3A_258 : i32
      %add3A_260 = arith.constant 1 : i32
      %add3A_261 = arith.addi %mul3A_259, %add3A_260 : i32
      %mul3A_262 = arith.constant 64 : i32
      %mul3A_263 = arith.muli %add3A_261, %mul3A_262 : i32
      %add3A_264 = arith.addi %mul3A_2, %mul3A_263 : i32
      %dma_wait3A_265 = arith.constant 0 : i32
      %dma_wait3A_266 = arith.constant 1 : i32
      %dma_wait3A_267 = arith.constant 0 : i32
      %dma_wait3A_268 = arith.constant 0 : i32
      %dma_wait3A_269 = tpu.memref_slice %arg8[%dma_wait3A_266, %dma_wait3A_267, %dma_wait3A_268] : memref<4x64x128xf32, #tpu.memory_space<vmem>> -> memref<1x64x128xf32, #tpu.memory_space<vmem>>
      %dma_wait3A_270 = tpu.memref_squeeze %dma_wait3A_269 : memref<1x64x128xf32, #tpu.memory_space<vmem>> -> memref<64x128xf32, #tpu.memory_space<vmem>>
      %dma_wait3A_271 = arith.constant 0 : i32
      %dma_wait3A_272 = tpu.memref_slice %arg6[%dma_wait3A_265, %dma_wait3A_271] : memref<100x64xi32, #tpu.memory_space<vmem>> -> memref<1x64xi32, #tpu.memory_space<vmem>>
      %dma_wait3A_273 = tpu.memref_squeeze %dma_wait3A_272 : memref<1x64xi32, #tpu.memory_space<vmem>> -> memref<64xi32, #tpu.memory_space<vmem>>
      %dma_wait3A_274 = arith.constant 0 : i32
      %dma_wait3A_275 = arith.constant 0 : i32
      %dma_wait3A_276 = tpu.memref_slice %arg3[%dma_wait3A_274, %dma_wait3A_275] : memref<100000x128xf32, #tpu.memory_space<hbm>> -> memref<100000x128xf32, #tpu.memory_space<hbm>>
      tpu.wait_indirect_dma semaphore(%arg11 : memref<!tpu.dma_semaphore, #tpu.memory_space<semaphore_mem>>) src(%dma_wait3A_276 : memref<100000x128xf32, #tpu.memory_space<hbm>>) dst(%dma_wait3A_270 : memref<64x128xf32, #tpu.memory_space<vmem>>)
      %ge3A_277 = arith.constant 4 : i32
      %ge3A_278 = arith.cmpi sge, %add3A_261, %ge3A_277 : i32
      %convert_element_type3A_279 = arith.extui %ge3A_278 : i1 to i32
      %cond3A_280 = arith.constant 0 : i32
      %cond3A_281 = arith.cmpi ne, %convert_element_type3A_279, %cond3A_280 : i32
      scf.if %cond3A_281 {
        %dma_wait3A_648 = arith.constant 1 : i32
        %dma_wait3A_649 = arith.constant 0 : i32
        %dma_wait3A_650 = arith.constant 0 : i32
        %dma_wait3A_651 = tpu.memref_slice %arg9[%dma_wait3A_648, %dma_wait3A_649, %dma_wait3A_650] : memref<4x64x128xf32, #tpu.memory_space<vmem>> -> memref<1x64x128xf32, #tpu.memory_space<vmem>>
        %dma_wait3A_652 = tpu.memref_squeeze %dma_wait3A_651 : memref<1x64x128xf32, #tpu.memory_space<vmem>> -> memref<64x128xf32, #tpu.memory_space<vmem>>
        %dma_wait3A_653 = arith.constant 0 : i32
        %dma_wait3A_654 = arith.constant 0 : i32
        %dma_wait3A_655 = tpu.memref_slice %arg5[%dma_wait3A_653, %dma_wait3A_654] : memref<204800x128xf32, #tpu.memory_space<hbm>> -> memref<64x128xf32, #tpu.memory_space<hbm>>
        %dma_wait3A_656 = arith.constant 0 : i32
        %dma_wait3A_657 = arith.constant 0 : i32
        %dma_wait3A_658 = tpu.memref_slice %arg5[%dma_wait3A_656, %dma_wait3A_657] : memref<204800x128xf32, #tpu.memory_space<hbm>> -> memref<64x128xf32, #tpu.memory_space<hbm>>
        %dma_wait3A_659 = arith.constant 0 : i32
        %dma_wait3A_660 = arith.constant 0 : i32
        %dma_wait3A_661 = tpu.memref_slice %arg9[%dma_wait3A_648, %dma_wait3A_659, %dma_wait3A_660] : memref<4x64x128xf32, #tpu.memory_space<vmem>> -> memref<1x64x128xf32, #tpu.memory_space<vmem>>
        %dma_wait3A_662 = tpu.memref_squeeze %dma_wait3A_661 : memref<1x64x128xf32, #tpu.memory_space<vmem>> -> memref<64x128xf32, #tpu.memory_space<vmem>>
        tpu.wait_dma2 semaphore(%arg15 : memref<!tpu.dma_semaphore, #tpu.memory_space<semaphore_mem>>) src(%dma_wait3A_662 : memref<64x128xf32, #tpu.memory_space<vmem>>) dst(%dma_wait3A_658 : memref<64x128xf32, #tpu.memory_space<hbm>>)
      } else {
      }
      %jit3A_282 = arith.constant 1024 : i32
      %div3A_283 = arith.divsi %add3A_264, %jit3A_282 : i32
      %sign3A_284 = arith.constant 0 : i32
      %sign3A_285 = arith.cmpi sgt, %add3A_264, %sign3A_284 : i32
      %sign3A_286 = arith.extui %sign3A_285 : i1 to i32
      %sign3A_287 = arith.constant 0 : i32
      %sign3A_288 = arith.cmpi slt, %add3A_264, %sign3A_287 : i32
      %sign3A_289 = arith.extui %sign3A_288 : i1 to i32
      %sign3A_290 = arith.subi %sign3A_286, %sign3A_289 : i32
      %sign3A_291 = arith.constant 0 : i32
      %sign3A_292 = arith.cmpi sgt, %jit3A_282, %sign3A_291 : i32
      %sign3A_293 = arith.extui %sign3A_292 : i1 to i32
      %sign3A_294 = arith.constant 0 : i32
      %sign3A_295 = arith.cmpi slt, %jit3A_282, %sign3A_294 : i32
      %sign3A_296 = arith.extui %sign3A_295 : i1 to i32
      %sign3A_297 = arith.subi %sign3A_293, %sign3A_296 : i32
      %ne3A_298 = arith.cmpi ne, %sign3A_290, %sign3A_297 : i32
      %rem3A_299 = arith.remsi %add3A_264, %jit3A_282 : i32
      %ne3A_300 = arith.constant 0 : i32
      %ne3A_301 = arith.cmpi ne, %rem3A_299, %ne3A_300 : i32
      %and3A_302 = arith.andi %ne3A_298, %ne3A_301 : i1
      %sub3A_303 = arith.constant 1 : i32
      %sub3A_304 = arith.subi %div3A_283, %sub3A_303 : i32
      %select_n3A_305 = arith.select %and3A_302, %sub3A_304, %div3A_283 : i32
      %sub3A_306 = arith.subi %select_n3A_305, %select_n3A : i32
      %mul3A_307 = arith.constant 128 : i32
      %mul3A_308 = arith.muli %sub3A_306, %mul3A_307 : i32
      %add3A_309 = arith.constant 0 : i32
      %add3A_310 = arith.addi %mul3A_308, %add3A_309 : i32
      %get3A_311 = arith.index_cast %add3A_310 : i32 to index
      %get3A_312 = tpu.vector_load %arg7[%get3A_311] {strides = array<i32>} : memref<1024xf32, #tpu.memory_space<vmem>>, vector<16xf32>,
      %get3A_313 = vector.shape_cast %get3A_312 : vector<16xf32> to vector<16xf32>
      %mul3A_314 = arith.constant 128 : i32
      %mul3A_315 = arith.muli %sub3A_306, %mul3A_314 : i32
      %add3A_316 = arith.constant 16 : i32
      %add3A_317 = arith.addi %mul3A_315, %add3A_316 : i32
      %get3A_318 = arith.index_cast %add3A_317 : i32 to index
      %get3A_319 = tpu.vector_load %arg7[%get3A_318] {strides = array<i32>} : memref<1024xf32, #tpu.memory_space<vmem>>, vector<16xf32>,
      %get3A_320 = vector.shape_cast %get3A_319 : vector<16xf32> to vector<16xf32>
      %mul3A_321 = arith.constant 128 : i32
      %mul3A_322 = arith.muli %sub3A_306, %mul3A_321 : i32
      %add3A_323 = arith.constant 32 : i32
      %add3A_324 = arith.addi %mul3A_322, %add3A_323 : i32
      %get3A_325 = arith.index_cast %add3A_324 : i32 to index
      %get3A_326 = tpu.vector_load %arg7[%get3A_325] {strides = array<i32>} : memref<1024xf32, #tpu.memory_space<vmem>>, vector<16xf32>,
      %get3A_327 = vector.shape_cast %get3A_326 : vector<16xf32> to vector<16xf32>
      %mul3A_328 = arith.constant 128 : i32
      %mul3A_329 = arith.muli %sub3A_306, %mul3A_328 : i32
      %add3A_330 = arith.constant 48 : i32
      %add3A_331 = arith.addi %mul3A_329, %add3A_330 : i32
      %get3A_332 = arith.index_cast %add3A_331 : i32 to index
      %get3A_333 = tpu.vector_load %arg7[%get3A_332] {strides = array<i32>} : memref<1024xf32, #tpu.memory_space<vmem>>, vector<16xf32>,
      %get3A_334 = vector.shape_cast %get3A_333 : vector<16xf32> to vector<16xf32>
      %mul3A_335 = arith.constant 128 : i32
      %mul3A_336 = arith.muli %sub3A_306, %mul3A_335 : i32
      %add3A_337 = arith.constant 64 : i32
      %add3A_338 = arith.addi %mul3A_336, %add3A_337 : i32
      %get3A_339 = arith.index_cast %add3A_338 : i32 to index
      %get3A_340 = tpu.vector_load %arg7[%get3A_339] {strides = array<i32>} : memref<1024xf32, #tpu.memory_space<vmem>>, vector<16xf32>,
      %get3A_341 = vector.shape_cast %get3A_340 : vector<16xf32> to vector<16xf32>
      %mul3A_342 = arith.constant 128 : i32
      %mul3A_343 = arith.muli %sub3A_306, %mul3A_342 : i32
      %add3A_344 = arith.constant 80 : i32
      %add3A_345 = arith.addi %mul3A_343, %add3A_344 : i32
      %get3A_346 = arith.index_cast %add3A_345 : i32 to index
      %get3A_347 = tpu.vector_load %arg7[%get3A_346] {strides = array<i32>} : memref<1024xf32, #tpu.memory_space<vmem>>, vector<16xf32>,
      %get3A_348 = vector.shape_cast %get3A_347 : vector<16xf32> to vector<16xf32>
      %mul3A_349 = arith.constant 128 : i32
      %mul3A_350 = arith.muli %sub3A_306, %mul3A_349 : i32
      %add3A_351 = arith.constant 96 : i32
      %add3A_352 = arith.addi %mul3A_350, %add3A_351 : i32
      %get3A_353 = arith.index_cast %add3A_352 : i32 to index
      %get3A_354 = tpu.vector_load %arg7[%get3A_353] {strides = array<i32>} : memref<1024xf32, #tpu.memory_space<vmem>>, vector<16xf32>,
      %get3A_355 = vector.shape_cast %get3A_354 : vector<16xf32> to vector<16xf32>
      %mul3A_356 = arith.constant 128 : i32
      %mul3A_357 = arith.muli %sub3A_306, %mul3A_356 : i32
      %add3A_358 = arith.constant 112 : i32
      %add3A_359 = arith.addi %mul3A_357, %add3A_358 : i32
      %get3A_360 = arith.index_cast %add3A_359 : i32 to index
      %get3A_361 = tpu.vector_load %arg7[%get3A_360] {strides = array<i32>} : memref<1024xf32, #tpu.memory_space<vmem>>, vector<16xf32>,
      %get3A_362 = vector.shape_cast %get3A_361 : vector<16xf32> to vector<16xf32>
      %scan3A_363 = arith.constant 0 : i32
      %scan3A_364 = arith.constant 64 : i32
      %scan3A_365 = arith.addi %scan3A_363, %scan3A_364 : i32
      %scan3A_366 = arith.constant 1 : i32
      scf.for %scan3A_648 = %scan3A_363 to %scan3A_365 step %scan3A_366  : i32 {
        %get3A_649 = arith.constant 1 : i32
        %get3A_650 = arith.constant 0 : i32
        %get3A_651 = arith.constant 0 : i32
        %get3A_652 = tpu.memref_slice %arg8[%get3A_649, %get3A_650, %get3A_651] : memref<4x64x128xf32, #tpu.memory_space<vmem>> -> memref<1x64x128xf32, #tpu.memory_space<vmem>>
        %get3A_653 = tpu.memref_squeeze %get3A_652 : memref<1x64x128xf32, #tpu.memory_space<vmem>> -> memref<64x128xf32, #tpu.memory_space<vmem>>
        %get3A_654 = arith.index_cast %scan3A_648 : i32 to index
        %get3A_655 = arith.constant 0 : index
        %get3A_656 = tpu.vector_load %get3A_653[%get3A_654, %get3A_655] {strides = array<i32>} : memref<64x128xf32, #tpu.memory_space<vmem>>, vector<1x16xf32>,
        %get3A_657 = vector.shape_cast %get3A_656 : vector<1x16xf32> to vector<16xf32>
        %add3A_658 = arith.addf %get3A_657, %get3A_313 : vector<16xf32>
        %swap3A = arith.constant 1 : i32
        %swap3A_659 = arith.constant 0 : i32
        %swap3A_660 = arith.constant 0 : i32
        %swap3A_661 = tpu.memref_slice %arg9[%swap3A, %swap3A_659, %swap3A_660] : memref<4x64x128xf32, #tpu.memory_space<vmem>> -> memref<1x64x128xf32, #tpu.memory_space<vmem>>
        %swap3A_662 = tpu.memref_squeeze %swap3A_661 : memref<1x64x128xf32, #tpu.memory_space<vmem>> -> memref<64x128xf32, #tpu.memory_space<vmem>>
        %swap3A_663 = arith.index_cast %scan3A_648 : i32 to index
        %swap3A_664 = arith.constant 0 : index
        %swap3A_665 = tpu.vector_load %swap3A_662[%swap3A_663, %swap3A_664] {strides = array<i32>} : memref<64x128xf32, #tpu.memory_space<vmem>>, vector<1x16xf32>,
        %swap3A_666 = vector.shape_cast %swap3A_665 : vector<1x16xf32> to vector<16xf32>
        %swap3A_667 = vector.shape_cast %add3A_658 : vector<16xf32> to vector<1x16xf32>
        tpu.vector_store %swap3A_662[%swap3A_663, %swap3A_664], %swap3A_667 {strides = array<i32>} : memref<64x128xf32, #tpu.memory_space<vmem>>, vector<1x16xf32>,
        %get3A_668 = arith.constant 1 : i32
        %get3A_669 = arith.constant 0 : i32
        %get3A_670 = arith.constant 0 : i32
        %get3A_671 = tpu.memref_slice %arg8[%get3A_668, %get3A_669, %get3A_670] : memref<4x64x128xf32, #tpu.memory_space<vmem>> -> memref<1x64x128xf32, #tpu.memory_space<vmem>>
        %get3A_672 = tpu.memref_squeeze %get3A_671 : memref<1x64x128xf32, #tpu.memory_space<vmem>> -> memref<64x128xf32, #tpu.memory_space<vmem>>
        %get3A_673 = arith.index_cast %scan3A_648 : i32 to index
        %get3A_674 = arith.constant 16 : index
        %get3A_675 = tpu.vector_load %get3A_672[%get3A_673, %get3A_674] {strides = array<i32>} : memref<64x128xf32, #tpu.memory_space<vmem>>, vector<1x16xf32>,
        %get3A_676 = vector.shape_cast %get3A_675 : vector<1x16xf32> to vector<16xf32>
        %add3A_677 = arith.addf %get3A_676, %get3A_320 : vector<16xf32>
        %swap3A_678 = arith.constant 1 : i32
        %swap3A_679 = arith.constant 0 : i32
        %swap3A_680 = arith.constant 0 : i32
        %swap3A_681 = tpu.memref_slice %arg9[%swap3A_678, %swap3A_679, %swap3A_680] : memref<4x64x128xf32, #tpu.memory_space<vmem>> -> memref<1x64x128xf32, #tpu.memory_space<vmem>>
        %swap3A_682 = tpu.memref_squeeze %swap3A_681 : memref<1x64x128xf32, #tpu.memory_space<vmem>> -> memref<64x128xf32, #tpu.memory_space<vmem>>
        %swap3A_683 = arith.index_cast %scan3A_648 : i32 to index
        %swap3A_684 = arith.constant 16 : index
        %swap3A_685 = tpu.vector_load %swap3A_682[%swap3A_683, %swap3A_684] {strides = array<i32>} : memref<64x128xf32, #tpu.memory_space<vmem>>, vector<1x16xf32>,
        %swap3A_686 = vector.shape_cast %swap3A_685 : vector<1x16xf32> to vector<16xf32>
        %swap3A_687 = vector.shape_cast %add3A_677 : vector<16xf32> to vector<1x16xf32>
        tpu.vector_store %swap3A_682[%swap3A_683, %swap3A_684], %swap3A_687 {strides = array<i32>} : memref<64x128xf32, #tpu.memory_space<vmem>>, vector<1x16xf32>,
        %get3A_688 = arith.constant 1 : i32
        %get3A_689 = arith.constant 0 : i32
        %get3A_690 = arith.constant 0 : i32
        %get3A_691 = tpu.memref_slice %arg8[%get3A_688, %get3A_689, %get3A_690] : memref<4x64x128xf32, #tpu.memory_space<vmem>> -> memref<1x64x128xf32, #tpu.memory_space<vmem>>
        %get3A_692 = tpu.memref_squeeze %get3A_691 : memref<1x64x128xf32, #tpu.memory_space<vmem>> -> memref<64x128xf32, #tpu.memory_space<vmem>>
        %get3A_693 = arith.index_cast %scan3A_648 : i32 to index
        %get3A_694 = arith.constant 32 : index
        %get3A_695 = tpu.vector_load %get3A_692[%get3A_693, %get3A_694] {strides = array<i32>} : memref<64x128xf32, #tpu.memory_space<vmem>>, vector<1x16xf32>,
        %get3A_696 = vector.shape_cast %get3A_695 : vector<1x16xf32> to vector<16xf32>
        %add3A_697 = arith.addf %get3A_696, %get3A_327 : vector<16xf32>
        %swap3A_698 = arith.constant 1 : i32
        %swap3A_699 = arith.constant 0 : i32
        %swap3A_700 = arith.constant 0 : i32
        %swap3A_701 = tpu.memref_slice %arg9[%swap3A_698, %swap3A_699, %swap3A_700] : memref<4x64x128xf32, #tpu.memory_space<vmem>> -> memref<1x64x128xf32, #tpu.memory_space<vmem>>
        %swap3A_702 = tpu.memref_squeeze %swap3A_701 : memref<1x64x128xf32, #tpu.memory_space<vmem>> -> memref<64x128xf32, #tpu.memory_space<vmem>>
        %swap3A_703 = arith.index_cast %scan3A_648 : i32 to index
        %swap3A_704 = arith.constant 32 : index
        %swap3A_705 = tpu.vector_load %swap3A_702[%swap3A_703, %swap3A_704] {strides = array<i32>} : memref<64x128xf32, #tpu.memory_space<vmem>>, vector<1x16xf32>,
        %swap3A_706 = vector.shape_cast %swap3A_705 : vector<1x16xf32> to vector<16xf32>
        %swap3A_707 = vector.shape_cast %add3A_697 : vector<16xf32> to vector<1x16xf32>
        tpu.vector_store %swap3A_702[%swap3A_703, %swap3A_704], %swap3A_707 {strides = array<i32>} : memref<64x128xf32, #tpu.memory_space<vmem>>, vector<1x16xf32>,
        %get3A_708 = arith.constant 1 : i32
        %get3A_709 = arith.constant 0 : i32
        %get3A_710 = arith.constant 0 : i32
        %get3A_711 = tpu.memref_slice %arg8[%get3A_708, %get3A_709, %get3A_710] : memref<4x64x128xf32, #tpu.memory_space<vmem>> -> memref<1x64x128xf32, #tpu.memory_space<vmem>>
        %get3A_712 = tpu.memref_squeeze %get3A_711 : memref<1x64x128xf32, #tpu.memory_space<vmem>> -> memref<64x128xf32, #tpu.memory_space<vmem>>
        %get3A_713 = arith.index_cast %scan3A_648 : i32 to index
        %get3A_714 = arith.constant 48 : index
        %get3A_715 = tpu.vector_load %get3A_712[%get3A_713, %get3A_714] {strides = array<i32>} : memref<64x128xf32, #tpu.memory_space<vmem>>, vector<1x16xf32>,
        %get3A_716 = vector.shape_cast %get3A_715 : vector<1x16xf32> to vector<16xf32>
        %add3A_717 = arith.addf %get3A_716, %get3A_334 : vector<16xf32>
        %swap3A_718 = arith.constant 1 : i32
        %swap3A_719 = arith.constant 0 : i32
        %swap3A_720 = arith.constant 0 : i32
        %swap3A_721 = tpu.memref_slice %arg9[%swap3A_718, %swap3A_719, %swap3A_720] : memref<4x64x128xf32, #tpu.memory_space<vmem>> -> memref<1x64x128xf32, #tpu.memory_space<vmem>>
        %swap3A_722 = tpu.memref_squeeze %swap3A_721 : memref<1x64x128xf32, #tpu.memory_space<vmem>> -> memref<64x128xf32, #tpu.memory_space<vmem>>
        %swap3A_723 = arith.index_cast %scan3A_648 : i32 to index
        %swap3A_724 = arith.constant 48 : index
        %swap3A_725 = tpu.vector_load %swap3A_722[%swap3A_723, %swap3A_724] {strides = array<i32>} : memref<64x128xf32, #tpu.memory_space<vmem>>, vector<1x16xf32>,
        %swap3A_726 = vector.shape_cast %swap3A_725 : vector<1x16xf32> to vector<16xf32>
        %swap3A_727 = vector.shape_cast %add3A_717 : vector<16xf32> to vector<1x16xf32>
        tpu.vector_store %swap3A_722[%swap3A_723, %swap3A_724], %swap3A_727 {strides = array<i32>} : memref<64x128xf32, #tpu.memory_space<vmem>>, vector<1x16xf32>,
        %get3A_728 = arith.constant 1 : i32
        %get3A_729 = arith.constant 0 : i32
        %get3A_730 = arith.constant 0 : i32
        %get3A_731 = tpu.memref_slice %arg8[%get3A_728, %get3A_729, %get3A_730] : memref<4x64x128xf32, #tpu.memory_space<vmem>> -> memref<1x64x128xf32, #tpu.memory_space<vmem>>
        %get3A_732 = tpu.memref_squeeze %get3A_731 : memref<1x64x128xf32, #tpu.memory_space<vmem>> -> memref<64x128xf32, #tpu.memory_space<vmem>>
        %get3A_733 = arith.index_cast %scan3A_648 : i32 to index
        %get3A_734 = arith.constant 64 : index
        %get3A_735 = tpu.vector_load %get3A_732[%get3A_733, %get3A_734] {strides = array<i32>} : memref<64x128xf32, #tpu.memory_space<vmem>>, vector<1x16xf32>,
        %get3A_736 = vector.shape_cast %get3A_735 : vector<1x16xf32> to vector<16xf32>
        %add3A_737 = arith.addf %get3A_736, %get3A_341 : vector<16xf32>
        %swap3A_738 = arith.constant 1 : i32
        %swap3A_739 = arith.constant 0 : i32
        %swap3A_740 = arith.constant 0 : i32
        %swap3A_741 = tpu.memref_slice %arg9[%swap3A_738, %swap3A_739, %swap3A_740] : memref<4x64x128xf32, #tpu.memory_space<vmem>> -> memref<1x64x128xf32, #tpu.memory_space<vmem>>
        %swap3A_742 = tpu.memref_squeeze %swap3A_741 : memref<1x64x128xf32, #tpu.memory_space<vmem>> -> memref<64x128xf32, #tpu.memory_space<vmem>>
        %swap3A_743 = arith.index_cast %scan3A_648 : i32 to index
        %swap3A_744 = arith.constant 64 : index
        %swap3A_745 = tpu.vector_load %swap3A_742[%swap3A_743, %swap3A_744] {strides = array<i32>} : memref<64x128xf32, #tpu.memory_space<vmem>>, vector<1x16xf32>,
        %swap3A_746 = vector.shape_cast %swap3A_745 : vector<1x16xf32> to vector<16xf32>
        %swap3A_747 = vector.shape_cast %add3A_737 : vector<16xf32> to vector<1x16xf32>
        tpu.vector_store %swap3A_742[%swap3A_743, %swap3A_744], %swap3A_747 {strides = array<i32>} : memref<64x128xf32, #tpu.memory_space<vmem>>, vector<1x16xf32>,
        %get3A_748 = arith.constant 1 : i32
        %get3A_749 = arith.constant 0 : i32
        %get3A_750 = arith.constant 0 : i32
        %get3A_751 = tpu.memref_slice %arg8[%get3A_748, %get3A_749, %get3A_750] : memref<4x64x128xf32, #tpu.memory_space<vmem>> -> memref<1x64x128xf32, #tpu.memory_space<vmem>>
        %get3A_752 = tpu.memref_squeeze %get3A_751 : memref<1x64x128xf32, #tpu.memory_space<vmem>> -> memref<64x128xf32, #tpu.memory_space<vmem>>
        %get3A_753 = arith.index_cast %scan3A_648 : i32 to index
        %get3A_754 = arith.constant 80 : index
        %get3A_755 = tpu.vector_load %get3A_752[%get3A_753, %get3A_754] {strides = array<i32>} : memref<64x128xf32, #tpu.memory_space<vmem>>, vector<1x16xf32>,
        %get3A_756 = vector.shape_cast %get3A_755 : vector<1x16xf32> to vector<16xf32>
        %add3A_757 = arith.addf %get3A_756, %get3A_348 : vector<16xf32>
        %swap3A_758 = arith.constant 1 : i32
        %swap3A_759 = arith.constant 0 : i32
        %swap3A_760 = arith.constant 0 : i32
        %swap3A_761 = tpu.memref_slice %arg9[%swap3A_758, %swap3A_759, %swap3A_760] : memref<4x64x128xf32, #tpu.memory_space<vmem>> -> memref<1x64x128xf32, #tpu.memory_space<vmem>>
        %swap3A_762 = tpu.memref_squeeze %swap3A_761 : memref<1x64x128xf32, #tpu.memory_space<vmem>> -> memref<64x128xf32, #tpu.memory_space<vmem>>
        %swap3A_763 = arith.index_cast %scan3A_648 : i32 to index
        %swap3A_764 = arith.constant 80 : index
        %swap3A_765 = tpu.vector_load %swap3A_762[%swap3A_763, %swap3A_764] {strides = array<i32>} : memref<64x128xf32, #tpu.memory_space<vmem>>, vector<1x16xf32>,
        %swap3A_766 = vector.shape_cast %swap3A_765 : vector<1x16xf32> to vector<16xf32>
        %swap3A_767 = vector.shape_cast %add3A_757 : vector<16xf32> to vector<1x16xf32>
        tpu.vector_store %swap3A_762[%swap3A_763, %swap3A_764], %swap3A_767 {strides = array<i32>} : memref<64x128xf32, #tpu.memory_space<vmem>>, vector<1x16xf32>,
        %get3A_768 = arith.constant 1 : i32
        %get3A_769 = arith.constant 0 : i32
        %get3A_770 = arith.constant 0 : i32
        %get3A_771 = tpu.memref_slice %arg8[%get3A_768, %get3A_769, %get3A_770] : memref<4x64x128xf32, #tpu.memory_space<vmem>> -> memref<1x64x128xf32, #tpu.memory_space<vmem>>
        %get3A_772 = tpu.memref_squeeze %get3A_771 : memref<1x64x128xf32, #tpu.memory_space<vmem>> -> memref<64x128xf32, #tpu.memory_space<vmem>>
        %get3A_773 = arith.index_cast %scan3A_648 : i32 to index
        %get3A_774 = arith.constant 96 : index
        %get3A_775 = tpu.vector_load %get3A_772[%get3A_773, %get3A_774] {strides = array<i32>} : memref<64x128xf32, #tpu.memory_space<vmem>>, vector<1x16xf32>,
        %get3A_776 = vector.shape_cast %get3A_775 : vector<1x16xf32> to vector<16xf32>
        %add3A_777 = arith.addf %get3A_776, %get3A_355 : vector<16xf32>
        %swap3A_778 = arith.constant 1 : i32
        %swap3A_779 = arith.constant 0 : i32
        %swap3A_780 = arith.constant 0 : i32
        %swap3A_781 = tpu.memref_slice %arg9[%swap3A_778, %swap3A_779, %swap3A_780] : memref<4x64x128xf32, #tpu.memory_space<vmem>> -> memref<1x64x128xf32, #tpu.memory_space<vmem>>
        %swap3A_782 = tpu.memref_squeeze %swap3A_781 : memref<1x64x128xf32, #tpu.memory_space<vmem>> -> memref<64x128xf32, #tpu.memory_space<vmem>>
        %swap3A_783 = arith.index_cast %scan3A_648 : i32 to index
        %swap3A_784 = arith.constant 96 : index
        %swap3A_785 = tpu.vector_load %swap3A_782[%swap3A_783, %swap3A_784] {strides = array<i32>} : memref<64x128xf32, #tpu.memory_space<vmem>>, vector<1x16xf32>,
        %swap3A_786 = vector.shape_cast %swap3A_785 : vector<1x16xf32> to vector<16xf32>
        %swap3A_787 = vector.shape_cast %add3A_777 : vector<16xf32> to vector<1x16xf32>
        tpu.vector_store %swap3A_782[%swap3A_783, %swap3A_784], %swap3A_787 {strides = array<i32>} : memref<64x128xf32, #tpu.memory_space<vmem>>, vector<1x16xf32>,
        %get3A_788 = arith.constant 1 : i32
        %get3A_789 = arith.constant 0 : i32
        %get3A_790 = arith.constant 0 : i32
        %get3A_791 = tpu.memref_slice %arg8[%get3A_788, %get3A_789, %get3A_790] : memref<4x64x128xf32, #tpu.memory_space<vmem>> -> memref<1x64x128xf32, #tpu.memory_space<vmem>>
        %get3A_792 = tpu.memref_squeeze %get3A_791 : memref<1x64x128xf32, #tpu.memory_space<vmem>> -> memref<64x128xf32, #tpu.memory_space<vmem>>
        %get3A_793 = arith.index_cast %scan3A_648 : i32 to index
        %get3A_794 = arith.constant 112 : index
        %get3A_795 = tpu.vector_load %get3A_792[%get3A_793, %get3A_794] {strides = array<i32>} : memref<64x128xf32, #tpu.memory_space<vmem>>, vector<1x16xf32>,
        %get3A_796 = vector.shape_cast %get3A_795 : vector<1x16xf32> to vector<16xf32>
        %add3A_797 = arith.addf %get3A_796, %get3A_362 : vector<16xf32>
        %swap3A_798 = arith.constant 1 : i32
        %swap3A_799 = arith.constant 0 : i32
        %swap3A_800 = arith.constant 0 : i32
        %swap3A_801 = tpu.memref_slice %arg9[%swap3A_798, %swap3A_799, %swap3A_800] : memref<4x64x128xf32, #tpu.memory_space<vmem>> -> memref<1x64x128xf32, #tpu.memory_space<vmem>>
        %swap3A_802 = tpu.memref_squeeze %swap3A_801 : memref<1x64x128xf32, #tpu.memory_space<vmem>> -> memref<64x128xf32, #tpu.memory_space<vmem>>
        %swap3A_803 = arith.index_cast %scan3A_648 : i32 to index
        %swap3A_804 = arith.constant 112 : index
        %swap3A_805 = tpu.vector_load %swap3A_802[%swap3A_803, %swap3A_804] {strides = array<i32>} : memref<64x128xf32, #tpu.memory_space<vmem>>, vector<1x16xf32>,
        %swap3A_806 = vector.shape_cast %swap3A_805 : vector<1x16xf32> to vector<16xf32>
        %swap3A_807 = vector.shape_cast %add3A_797 : vector<16xf32> to vector<1x16xf32>
        tpu.vector_store %swap3A_802[%swap3A_803, %swap3A_804], %swap3A_807 {strides = array<i32>} : memref<64x128xf32, #tpu.memory_space<vmem>>, vector<1x16xf32>,
      }
      %scan3A_367 = arith.constant 64 : i32
      %dma_start3A_368 = arith.constant 1 : i32
      %dma_start3A_369 = arith.constant 0 : i32
      %dma_start3A_370 = arith.constant 0 : i32
      %dma_start3A_371 = tpu.memref_slice %arg9[%dma_start3A_368, %dma_start3A_369, %dma_start3A_370] : memref<4x64x128xf32, #tpu.memory_space<vmem>> -> memref<1x64x128xf32, #tpu.memory_space<vmem>>
      %dma_start3A_372 = tpu.memref_squeeze %dma_start3A_371 : memref<1x64x128xf32, #tpu.memory_space<vmem>> -> memref<64x128xf32, #tpu.memory_space<vmem>>
      %dma_start3A_373 = arith.constant 0 : i32
      %dma_start3A_374 = tpu.memref_slice %arg5[%add3A_264, %dma_start3A_373] : memref<204800x128xf32, #tpu.memory_space<hbm>> -> memref<64x128xf32, #tpu.memory_space<hbm>>
      %dma_start3A_375 = arith.constant 0 : i32
      %dma_start3A_376 = tpu.memref_slice %arg5[%add3A_264, %dma_start3A_375] : memref<204800x128xf32, #tpu.memory_space<hbm>> -> memref<64x128xf32, #tpu.memory_space<hbm>>
      %dma_start3A_377 = arith.constant 0 : i32
      %dma_start3A_378 = arith.constant 0 : i32
      %dma_start3A_379 = tpu.memref_slice %arg9[%dma_start3A_368, %dma_start3A_377, %dma_start3A_378] : memref<4x64x128xf32, #tpu.memory_space<vmem>> -> memref<1x64x128xf32, #tpu.memory_space<vmem>>
      %dma_start3A_380 = tpu.memref_squeeze %dma_start3A_379 : memref<1x64x128xf32, #tpu.memory_space<vmem>> -> memref<64x128xf32, #tpu.memory_space<vmem>>
      tpu.enqueue_dma source(%dma_start3A_380 : memref<64x128xf32, #tpu.memory_space<vmem>>) target(%dma_start3A_376 : memref<64x128xf32, #tpu.memory_space<hbm>>) target_semaphore(%arg15 : memref<!tpu.dma_semaphore, #tpu.memory_space<semaphore_mem>>)
      %add3A_381 = arith.constant 4 : i32
      %add3A_382 = arith.addi %add3A_261, %add3A_381 : i32
      %lt3A_383 = arith.constant 100 : i32
      %lt3A_384 = arith.cmpi slt, %add3A_382, %lt3A_383 : i32
      %convert_element_type3A_385 = arith.extui %lt3A_384 : i1 to i32
      %cond3A_386 = arith.constant 0 : i32
      %cond3A_387 = arith.cmpi ne, %convert_element_type3A_385, %cond3A_386 : i32
      scf.if %cond3A_387 {
        %add3A_648 = arith.constant 4 : i32
        %add3A_649 = arith.addi %add3A_261, %add3A_648 : i32
        %dma_start3A_650 = arith.constant 1 : i32
        %dma_start3A_651 = arith.constant 0 : i32
        %dma_start3A_652 = arith.constant 0 : i32
        %dma_start3A_653 = tpu.memref_slice %arg8[%dma_start3A_650, %dma_start3A_651, %dma_start3A_652] : memref<4x64x128xf32, #tpu.memory_space<vmem>> -> memref<1x64x128xf32, #tpu.memory_space<vmem>>
        %dma_start3A_654 = tpu.memref_squeeze %dma_start3A_653 : memref<1x64x128xf32, #tpu.memory_space<vmem>> -> memref<64x128xf32, #tpu.memory_space<vmem>>
        %dma_start3A_655 = arith.constant 0 : i32
        %dma_start3A_656 = tpu.memref_slice %arg6[%add3A_649, %dma_start3A_655] : memref<100x64xi32, #tpu.memory_space<vmem>> -> memref<1x64xi32, #tpu.memory_space<vmem>>
        %dma_start3A_657 = tpu.memref_squeeze %dma_start3A_656 : memref<1x64xi32, #tpu.memory_space<vmem>> -> memref<64xi32, #tpu.memory_space<vmem>>
        %dma_start3A_658 = arith.constant 0 : i32
        %dma_start3A_659 = arith.constant 0 : i32
        %dma_start3A_660 = tpu.memref_slice %arg3[%dma_start3A_658, %dma_start3A_659] : memref<100000x128xf32, #tpu.memory_space<hbm>> -> memref<100000x128xf32, #tpu.memory_space<hbm>>
        tpu.enqueue_indirect_dma source(%dma_start3A_660 : memref<100000x128xf32, #tpu.memory_space<hbm>>) target(%dma_start3A_654 : memref<64x128xf32, #tpu.memory_space<vmem>>) offsets(%dma_start3A_657 : memref<64xi32, #tpu.memory_space<vmem>>) semaphore(%arg11 : memref<!tpu.dma_semaphore, #tpu.memory_space<semaphore_mem>>)
      } else {
      }
      %mul3A_388 = arith.constant 4 : i32
      %mul3A_389 = arith.muli %scan3A_132, %mul3A_388 : i32
      %add3A_390 = arith.constant 2 : i32
      %add3A_391 = arith.addi %mul3A_389, %add3A_390 : i32
      %mul3A_392 = arith.constant 64 : i32
      %mul3A_393 = arith.muli %add3A_391, %mul3A_392 : i32
      %add3A_394 = arith.addi %mul3A_2, %mul3A_393 : i32
      %dma_wait3A_395 = arith.constant 0 : i32
      %dma_wait3A_396 = arith.constant 2 : i32
      %dma_wait3A_397 = arith.constant 0 : i32
      %dma_wait3A_398 = arith.constant 0 : i32
      %dma_wait3A_399 = tpu.memref_slice %arg8[%dma_wait3A_396, %dma_wait3A_397, %dma_wait3A_398] : memref<4x64x128xf32, #tpu.memory_space<vmem>> -> memref<1x64x128xf32, #tpu.memory_space<vmem>>
      %dma_wait3A_400 = tpu.memref_squeeze %dma_wait3A_399 : memref<1x64x128xf32, #tpu.memory_space<vmem>> -> memref<64x128xf32, #tpu.memory_space<vmem>>
      %dma_wait3A_401 = arith.constant 0 : i32
      %dma_wait3A_402 = tpu.memref_slice %arg6[%dma_wait3A_395, %dma_wait3A_401] : memref<100x64xi32, #tpu.memory_space<vmem>> -> memref<1x64xi32, #tpu.memory_space<vmem>>
      %dma_wait3A_403 = tpu.memref_squeeze %dma_wait3A_402 : memref<1x64xi32, #tpu.memory_space<vmem>> -> memref<64xi32, #tpu.memory_space<vmem>>
      %dma_wait3A_404 = arith.constant 0 : i32
      %dma_wait3A_405 = arith.constant 0 : i32
      %dma_wait3A_406 = tpu.memref_slice %arg3[%dma_wait3A_404, %dma_wait3A_405] : memref<100000x128xf32, #tpu.memory_space<hbm>> -> memref<100000x128xf32, #tpu.memory_space<hbm>>
      tpu.wait_indirect_dma semaphore(%arg12 : memref<!tpu.dma_semaphore, #tpu.memory_space<semaphore_mem>>) src(%dma_wait3A_406 : memref<100000x128xf32, #tpu.memory_space<hbm>>) dst(%dma_wait3A_400 : memref<64x128xf32, #tpu.memory_space<vmem>>)
      %ge3A_407 = arith.constant 4 : i32
      %ge3A_408 = arith.cmpi sge, %add3A_391, %ge3A_407 : i32
      %convert_element_type3A_409 = arith.extui %ge3A_408 : i1 to i32
      %cond3A_410 = arith.constant 0 : i32
      %cond3A_411 = arith.cmpi ne, %convert_element_type3A_409, %cond3A_410 : i32
      scf.if %cond3A_411 {
        %dma_wait3A_648 = arith.constant 2 : i32
        %dma_wait3A_649 = arith.constant 0 : i32
        %dma_wait3A_650 = arith.constant 0 : i32
        %dma_wait3A_651 = tpu.memref_slice %arg9[%dma_wait3A_648, %dma_wait3A_649, %dma_wait3A_650] : memref<4x64x128xf32, #tpu.memory_space<vmem>> -> memref<1x64x128xf32, #tpu.memory_space<vmem>>
        %dma_wait3A_652 = tpu.memref_squeeze %dma_wait3A_651 : memref<1x64x128xf32, #tpu.memory_space<vmem>> -> memref<64x128xf32, #tpu.memory_space<vmem>>
        %dma_wait3A_653 = arith.constant 0 : i32
        %dma_wait3A_654 = arith.constant 0 : i32
        %dma_wait3A_655 = tpu.memref_slice %arg5[%dma_wait3A_653, %dma_wait3A_654] : memref<204800x128xf32, #tpu.memory_space<hbm>> -> memref<64x128xf32, #tpu.memory_space<hbm>>
        %dma_wait3A_656 = arith.constant 0 : i32
        %dma_wait3A_657 = arith.constant 0 : i32
        %dma_wait3A_658 = tpu.memref_slice %arg5[%dma_wait3A_656, %dma_wait3A_657] : memref<204800x128xf32, #tpu.memory_space<hbm>> -> memref<64x128xf32, #tpu.memory_space<hbm>>
        %dma_wait3A_659 = arith.constant 0 : i32
        %dma_wait3A_660 = arith.constant 0 : i32
        %dma_wait3A_661 = tpu.memref_slice %arg9[%dma_wait3A_648, %dma_wait3A_659, %dma_wait3A_660] : memref<4x64x128xf32, #tpu.memory_space<vmem>> -> memref<1x64x128xf32, #tpu.memory_space<vmem>>
        %dma_wait3A_662 = tpu.memref_squeeze %dma_wait3A_661 : memref<1x64x128xf32, #tpu.memory_space<vmem>> -> memref<64x128xf32, #tpu.memory_space<vmem>>
        tpu.wait_dma2 semaphore(%arg16 : memref<!tpu.dma_semaphore, #tpu.memory_space<semaphore_mem>>) src(%dma_wait3A_662 : memref<64x128xf32, #tpu.memory_space<vmem>>) dst(%dma_wait3A_658 : memref<64x128xf32, #tpu.memory_space<hbm>>)
      } else {
      }
      %jit3A_412 = arith.constant 1024 : i32
      %div3A_413 = arith.divsi %add3A_394, %jit3A_412 : i32
      %sign3A_414 = arith.constant 0 : i32
      %sign3A_415 = arith.cmpi sgt, %add3A_394, %sign3A_414 : i32
      %sign3A_416 = arith.extui %sign3A_415 : i1 to i32
      %sign3A_417 = arith.constant 0 : i32
      %sign3A_418 = arith.cmpi slt, %add3A_394, %sign3A_417 : i32
      %sign3A_419 = arith.extui %sign3A_418 : i1 to i32
      %sign3A_420 = arith.subi %sign3A_416, %sign3A_419 : i32
      %sign3A_421 = arith.constant 0 : i32
      %sign3A_422 = arith.cmpi sgt, %jit3A_412, %sign3A_421 : i32
      %sign3A_423 = arith.extui %sign3A_422 : i1 to i32
      %sign3A_424 = arith.constant 0 : i32
      %sign3A_425 = arith.cmpi slt, %jit3A_412, %sign3A_424 : i32
      %sign3A_426 = arith.extui %sign3A_425 : i1 to i32
      %sign3A_427 = arith.subi %sign3A_423, %sign3A_426 : i32
      %ne3A_428 = arith.cmpi ne, %sign3A_420, %sign3A_427 : i32
      %rem3A_429 = arith.remsi %add3A_394, %jit3A_412 : i32
      %ne3A_430 = arith.constant 0 : i32
      %ne3A_431 = arith.cmpi ne, %rem3A_429, %ne3A_430 : i32
      %and3A_432 = arith.andi %ne3A_428, %ne3A_431 : i1
      %sub3A_433 = arith.constant 1 : i32
      %sub3A_434 = arith.subi %div3A_413, %sub3A_433 : i32
      %select_n3A_435 = arith.select %and3A_432, %sub3A_434, %div3A_413 : i32
      %sub3A_436 = arith.subi %select_n3A_435, %select_n3A : i32
      %mul3A_437 = arith.constant 128 : i32
      %mul3A_438 = arith.muli %sub3A_436, %mul3A_437 : i32
      %add3A_439 = arith.constant 0 : i32
      %add3A_440 = arith.addi %mul3A_438, %add3A_439 : i32
      %get3A_441 = arith.index_cast %add3A_440 : i32 to index
      %get3A_442 = tpu.vector_load %arg7[%get3A_441] {strides = array<i32>} : memref<1024xf32, #tpu.memory_space<vmem>>, vector<16xf32>,
      %get3A_443 = vector.shape_cast %get3A_442 : vector<16xf32> to vector<16xf32>
      %mul3A_444 = arith.constant 128 : i32
      %mul3A_445 = arith.muli %sub3A_436, %mul3A_444 : i32
      %add3A_446 = arith.constant 16 : i32
      %add3A_447 = arith.addi %mul3A_445, %add3A_446 : i32
      %get3A_448 = arith.index_cast %add3A_447 : i32 to index
      %get3A_449 = tpu.vector_load %arg7[%get3A_448] {strides = array<i32>} : memref<1024xf32, #tpu.memory_space<vmem>>, vector<16xf32>,
      %get3A_450 = vector.shape_cast %get3A_449 : vector<16xf32> to vector<16xf32>
      %mul3A_451 = arith.constant 128 : i32
      %mul3A_452 = arith.muli %sub3A_436, %mul3A_451 : i32
      %add3A_453 = arith.constant 32 : i32
      %add3A_454 = arith.addi %mul3A_452, %add3A_453 : i32
      %get3A_455 = arith.index_cast %add3A_454 : i32 to index
      %get3A_456 = tpu.vector_load %arg7[%get3A_455] {strides = array<i32>} : memref<1024xf32, #tpu.memory_space<vmem>>, vector<16xf32>,
      %get3A_457 = vector.shape_cast %get3A_456 : vector<16xf32> to vector<16xf32>
      %mul3A_458 = arith.constant 128 : i32
      %mul3A_459 = arith.muli %sub3A_436, %mul3A_458 : i32
      %add3A_460 = arith.constant 48 : i32
      %add3A_461 = arith.addi %mul3A_459, %add3A_460 : i32
      %get3A_462 = arith.index_cast %add3A_461 : i32 to index
      %get3A_463 = tpu.vector_load %arg7[%get3A_462] {strides = array<i32>} : memref<1024xf32, #tpu.memory_space<vmem>>, vector<16xf32>,
      %get3A_464 = vector.shape_cast %get3A_463 : vector<16xf32> to vector<16xf32>
      %mul3A_465 = arith.constant 128 : i32
      %mul3A_466 = arith.muli %sub3A_436, %mul3A_465 : i32
      %add3A_467 = arith.constant 64 : i32
      %add3A_468 = arith.addi %mul3A_466, %add3A_467 : i32
      %get3A_469 = arith.index_cast %add3A_468 : i32 to index
      %get3A_470 = tpu.vector_load %arg7[%get3A_469] {strides = array<i32>} : memref<1024xf32, #tpu.memory_space<vmem>>, vector<16xf32>,
      %get3A_471 = vector.shape_cast %get3A_470 : vector<16xf32> to vector<16xf32>
      %mul3A_472 = arith.constant 128 : i32
      %mul3A_473 = arith.muli %sub3A_436, %mul3A_472 : i32
      %add3A_474 = arith.constant 80 : i32
      %add3A_475 = arith.addi %mul3A_473, %add3A_474 : i32
      %get3A_476 = arith.index_cast %add3A_475 : i32 to index
      %get3A_477 = tpu.vector_load %arg7[%get3A_476] {strides = array<i32>} : memref<1024xf32, #tpu.memory_space<vmem>>, vector<16xf32>,
      %get3A_478 = vector.shape_cast %get3A_477 : vector<16xf32> to vector<16xf32>
      %mul3A_479 = arith.constant 128 : i32
      %mul3A_480 = arith.muli %sub3A_436, %mul3A_479 : i32
      %add3A_481 = arith.constant 96 : i32
      %add3A_482 = arith.addi %mul3A_480, %add3A_481 : i32
      %get3A_483 = arith.index_cast %add3A_482 : i32 to index
      %get3A_484 = tpu.vector_load %arg7[%get3A_483] {strides = array<i32>} : memref<1024xf32, #tpu.memory_space<vmem>>, vector<16xf32>,
      %get3A_485 = vector.shape_cast %get3A_484 : vector<16xf32> to vector<16xf32>
      %mul3A_486 = arith.constant 128 : i32
      %mul3A_487 = arith.muli %sub3A_436, %mul3A_486 : i32
      %add3A_488 = arith.constant 112 : i32
      %add3A_489 = arith.addi %mul3A_487, %add3A_488 : i32
      %get3A_490 = arith.index_cast %add3A_489 : i32 to index
      %get3A_491 = tpu.vector_load %arg7[%get3A_490] {strides = array<i32>} : memref<1024xf32, #tpu.memory_space<vmem>>, vector<16xf32>,
      %get3A_492 = vector.shape_cast %get3A_491 : vector<16xf32> to vector<16xf32>
      %scan3A_493 = arith.constant 0 : i32
      %scan3A_494 = arith.constant 64 : i32
      %scan3A_495 = arith.addi %scan3A_493, %scan3A_494 : i32
      %scan3A_496 = arith.constant 1 : i32
      scf.for %scan3A_648 = %scan3A_493 to %scan3A_495 step %scan3A_496  : i32 {
        %get3A_649 = arith.constant 2 : i32
        %get3A_650 = arith.constant 0 : i32
        %get3A_651 = arith.constant 0 : i32
        %get3A_652 = tpu.memref_slice %arg8[%get3A_649, %get3A_650, %get3A_651] : memref<4x64x128xf32, #tpu.memory_space<vmem>> -> memref<1x64x128xf32, #tpu.memory_space<vmem>>
        %get3A_653 = tpu.memref_squeeze %get3A_652 : memref<1x64x128xf32, #tpu.memory_space<vmem>> -> memref<64x128xf32, #tpu.memory_space<vmem>>
        %get3A_654 = arith.index_cast %scan3A_648 : i32 to index
        %get3A_655 = arith.constant 0 : index
        %get3A_656 = tpu.vector_load %get3A_653[%get3A_654, %get3A_655] {strides = array<i32>} : memref<64x128xf32, #tpu.memory_space<vmem>>, vector<1x16xf32>,
        %get3A_657 = vector.shape_cast %get3A_656 : vector<1x16xf32> to vector<16xf32>
        %add3A_658 = arith.addf %get3A_657, %get3A_443 : vector<16xf32>
        %swap3A = arith.constant 2 : i32
        %swap3A_659 = arith.constant 0 : i32
        %swap3A_660 = arith.constant 0 : i32
        %swap3A_661 = tpu.memref_slice %arg9[%swap3A, %swap3A_659, %swap3A_660] : memref<4x64x128xf32, #tpu.memory_space<vmem>> -> memref<1x64x128xf32, #tpu.memory_space<vmem>>
        %swap3A_662 = tpu.memref_squeeze %swap3A_661 : memref<1x64x128xf32, #tpu.memory_space<vmem>> -> memref<64x128xf32, #tpu.memory_space<vmem>>
        %swap3A_663 = arith.index_cast %scan3A_648 : i32 to index
        %swap3A_664 = arith.constant 0 : index
        %swap3A_665 = tpu.vector_load %swap3A_662[%swap3A_663, %swap3A_664] {strides = array<i32>} : memref<64x128xf32, #tpu.memory_space<vmem>>, vector<1x16xf32>,
        %swap3A_666 = vector.shape_cast %swap3A_665 : vector<1x16xf32> to vector<16xf32>
        %swap3A_667 = vector.shape_cast %add3A_658 : vector<16xf32> to vector<1x16xf32>
        tpu.vector_store %swap3A_662[%swap3A_663, %swap3A_664], %swap3A_667 {strides = array<i32>} : memref<64x128xf32, #tpu.memory_space<vmem>>, vector<1x16xf32>,
        %get3A_668 = arith.constant 2 : i32
        %get3A_669 = arith.constant 0 : i32
        %get3A_670 = arith.constant 0 : i32
        %get3A_671 = tpu.memref_slice %arg8[%get3A_668, %get3A_669, %get3A_670] : memref<4x64x128xf32, #tpu.memory_space<vmem>> -> memref<1x64x128xf32, #tpu.memory_space<vmem>>
        %get3A_672 = tpu.memref_squeeze %get3A_671 : memref<1x64x128xf32, #tpu.memory_space<vmem>> -> memref<64x128xf32, #tpu.memory_space<vmem>>
        %get3A_673 = arith.index_cast %scan3A_648 : i32 to index
        %get3A_674 = arith.constant 16 : index
        %get3A_675 = tpu.vector_load %get3A_672[%get3A_673, %get3A_674] {strides = array<i32>} : memref<64x128xf32, #tpu.memory_space<vmem>>, vector<1x16xf32>,
        %get3A_676 = vector.shape_cast %get3A_675 : vector<1x16xf32> to vector<16xf32>
        %add3A_677 = arith.addf %get3A_676, %get3A_450 : vector<16xf32>
        %swap3A_678 = arith.constant 2 : i32
        %swap3A_679 = arith.constant 0 : i32
        %swap3A_680 = arith.constant 0 : i32
        %swap3A_681 = tpu.memref_slice %arg9[%swap3A_678, %swap3A_679, %swap3A_680] : memref<4x64x128xf32, #tpu.memory_space<vmem>> -> memref<1x64x128xf32, #tpu.memory_space<vmem>>
        %swap3A_682 = tpu.memref_squeeze %swap3A_681 : memref<1x64x128xf32, #tpu.memory_space<vmem>> -> memref<64x128xf32, #tpu.memory_space<vmem>>
        %swap3A_683 = arith.index_cast %scan3A_648 : i32 to index
        %swap3A_684 = arith.constant 16 : index
        %swap3A_685 = tpu.vector_load %swap3A_682[%swap3A_683, %swap3A_684] {strides = array<i32>} : memref<64x128xf32, #tpu.memory_space<vmem>>, vector<1x16xf32>,
        %swap3A_686 = vector.shape_cast %swap3A_685 : vector<1x16xf32> to vector<16xf32>
        %swap3A_687 = vector.shape_cast %add3A_677 : vector<16xf32> to vector<1x16xf32>
        tpu.vector_store %swap3A_682[%swap3A_683, %swap3A_684], %swap3A_687 {strides = array<i32>} : memref<64x128xf32, #tpu.memory_space<vmem>>, vector<1x16xf32>,
        %get3A_688 = arith.constant 2 : i32
        %get3A_689 = arith.constant 0 : i32
        %get3A_690 = arith.constant 0 : i32
        %get3A_691 = tpu.memref_slice %arg8[%get3A_688, %get3A_689, %get3A_690] : memref<4x64x128xf32, #tpu.memory_space<vmem>> -> memref<1x64x128xf32, #tpu.memory_space<vmem>>
        %get3A_692 = tpu.memref_squeeze %get3A_691 : memref<1x64x128xf32, #tpu.memory_space<vmem>> -> memref<64x128xf32, #tpu.memory_space<vmem>>
        %get3A_693 = arith.index_cast %scan3A_648 : i32 to index
        %get3A_694 = arith.constant 32 : index
        %get3A_695 = tpu.vector_load %get3A_692[%get3A_693, %get3A_694] {strides = array<i32>} : memref<64x128xf32, #tpu.memory_space<vmem>>, vector<1x16xf32>,
        %get3A_696 = vector.shape_cast %get3A_695 : vector<1x16xf32> to vector<16xf32>
        %add3A_697 = arith.addf %get3A_696, %get3A_457 : vector<16xf32>
        %swap3A_698 = arith.constant 2 : i32
        %swap3A_699 = arith.constant 0 : i32
        %swap3A_700 = arith.constant 0 : i32
        %swap3A_701 = tpu.memref_slice %arg9[%swap3A_698, %swap3A_699, %swap3A_700] : memref<4x64x128xf32, #tpu.memory_space<vmem>> -> memref<1x64x128xf32, #tpu.memory_space<vmem>>
        %swap3A_702 = tpu.memref_squeeze %swap3A_701 : memref<1x64x128xf32, #tpu.memory_space<vmem>> -> memref<64x128xf32, #tpu.memory_space<vmem>>
        %swap3A_703 = arith.index_cast %scan3A_648 : i32 to index
        %swap3A_704 = arith.constant 32 : index
        %swap3A_705 = tpu.vector_load %swap3A_702[%swap3A_703, %swap3A_704] {strides = array<i32>} : memref<64x128xf32, #tpu.memory_space<vmem>>, vector<1x16xf32>,
        %swap3A_706 = vector.shape_cast %swap3A_705 : vector<1x16xf32> to vector<16xf32>
        %swap3A_707 = vector.shape_cast %add3A_697 : vector<16xf32> to vector<1x16xf32>
        tpu.vector_store %swap3A_702[%swap3A_703, %swap3A_704], %swap3A_707 {strides = array<i32>} : memref<64x128xf32, #tpu.memory_space<vmem>>, vector<1x16xf32>,
        %get3A_708 = arith.constant 2 : i32
        %get3A_709 = arith.constant 0 : i32
        %get3A_710 = arith.constant 0 : i32
        %get3A_711 = tpu.memref_slice %arg8[%get3A_708, %get3A_709, %get3A_710] : memref<4x64x128xf32, #tpu.memory_space<vmem>> -> memref<1x64x128xf32, #tpu.memory_space<vmem>>
        %get3A_712 = tpu.memref_squeeze %get3A_711 : memref<1x64x128xf32, #tpu.memory_space<vmem>> -> memref<64x128xf32, #tpu.memory_space<vmem>>
        %get3A_713 = arith.index_cast %scan3A_648 : i32 to index
        %get3A_714 = arith.constant 48 : index
        %get3A_715 = tpu.vector_load %get3A_712[%get3A_713, %get3A_714] {strides = array<i32>} : memref<64x128xf32, #tpu.memory_space<vmem>>, vector<1x16xf32>,
        %get3A_716 = vector.shape_cast %get3A_715 : vector<1x16xf32> to vector<16xf32>
        %add3A_717 = arith.addf %get3A_716, %get3A_464 : vector<16xf32>
        %swap3A_718 = arith.constant 2 : i32
        %swap3A_719 = arith.constant 0 : i32
        %swap3A_720 = arith.constant 0 : i32
        %swap3A_721 = tpu.memref_slice %arg9[%swap3A_718, %swap3A_719, %swap3A_720] : memref<4x64x128xf32, #tpu.memory_space<vmem>> -> memref<1x64x128xf32, #tpu.memory_space<vmem>>
        %swap3A_722 = tpu.memref_squeeze %swap3A_721 : memref<1x64x128xf32, #tpu.memory_space<vmem>> -> memref<64x128xf32, #tpu.memory_space<vmem>>
        %swap3A_723 = arith.index_cast %scan3A_648 : i32 to index
        %swap3A_724 = arith.constant 48 : index
        %swap3A_725 = tpu.vector_load %swap3A_722[%swap3A_723, %swap3A_724] {strides = array<i32>} : memref<64x128xf32, #tpu.memory_space<vmem>>, vector<1x16xf32>,
        %swap3A_726 = vector.shape_cast %swap3A_725 : vector<1x16xf32> to vector<16xf32>
        %swap3A_727 = vector.shape_cast %add3A_717 : vector<16xf32> to vector<1x16xf32>
        tpu.vector_store %swap3A_722[%swap3A_723, %swap3A_724], %swap3A_727 {strides = array<i32>} : memref<64x128xf32, #tpu.memory_space<vmem>>, vector<1x16xf32>,
        %get3A_728 = arith.constant 2 : i32
        %get3A_729 = arith.constant 0 : i32
        %get3A_730 = arith.constant 0 : i32
        %get3A_731 = tpu.memref_slice %arg8[%get3A_728, %get3A_729, %get3A_730] : memref<4x64x128xf32, #tpu.memory_space<vmem>> -> memref<1x64x128xf32, #tpu.memory_space<vmem>>
        %get3A_732 = tpu.memref_squeeze %get3A_731 : memref<1x64x128xf32, #tpu.memory_space<vmem>> -> memref<64x128xf32, #tpu.memory_space<vmem>>
        %get3A_733 = arith.index_cast %scan3A_648 : i32 to index
        %get3A_734 = arith.constant 64 : index
        %get3A_735 = tpu.vector_load %get3A_732[%get3A_733, %get3A_734] {strides = array<i32>} : memref<64x128xf32, #tpu.memory_space<vmem>>, vector<1x16xf32>,
        %get3A_736 = vector.shape_cast %get3A_735 : vector<1x16xf32> to vector<16xf32>
        %add3A_737 = arith.addf %get3A_736, %get3A_471 : vector<16xf32>
        %swap3A_738 = arith.constant 2 : i32
        %swap3A_739 = arith.constant 0 : i32
        %swap3A_740 = arith.constant 0 : i32
        %swap3A_741 = tpu.memref_slice %arg9[%swap3A_738, %swap3A_739, %swap3A_740] : memref<4x64x128xf32, #tpu.memory_space<vmem>> -> memref<1x64x128xf32, #tpu.memory_space<vmem>>
        %swap3A_742 = tpu.memref_squeeze %swap3A_741 : memref<1x64x128xf32, #tpu.memory_space<vmem>> -> memref<64x128xf32, #tpu.memory_space<vmem>>
        %swap3A_743 = arith.index_cast %scan3A_648 : i32 to index
        %swap3A_744 = arith.constant 64 : index
        %swap3A_745 = tpu.vector_load %swap3A_742[%swap3A_743, %swap3A_744] {strides = array<i32>} : memref<64x128xf32, #tpu.memory_space<vmem>>, vector<1x16xf32>,
        %swap3A_746 = vector.shape_cast %swap3A_745 : vector<1x16xf32> to vector<16xf32>
        %swap3A_747 = vector.shape_cast %add3A_737 : vector<16xf32> to vector<1x16xf32>
        tpu.vector_store %swap3A_742[%swap3A_743, %swap3A_744], %swap3A_747 {strides = array<i32>} : memref<64x128xf32, #tpu.memory_space<vmem>>, vector<1x16xf32>,
        %get3A_748 = arith.constant 2 : i32
        %get3A_749 = arith.constant 0 : i32
        %get3A_750 = arith.constant 0 : i32
        %get3A_751 = tpu.memref_slice %arg8[%get3A_748, %get3A_749, %get3A_750] : memref<4x64x128xf32, #tpu.memory_space<vmem>> -> memref<1x64x128xf32, #tpu.memory_space<vmem>>
        %get3A_752 = tpu.memref_squeeze %get3A_751 : memref<1x64x128xf32, #tpu.memory_space<vmem>> -> memref<64x128xf32, #tpu.memory_space<vmem>>
        %get3A_753 = arith.index_cast %scan3A_648 : i32 to index
        %get3A_754 = arith.constant 80 : index
        %get3A_755 = tpu.vector_load %get3A_752[%get3A_753, %get3A_754] {strides = array<i32>} : memref<64x128xf32, #tpu.memory_space<vmem>>, vector<1x16xf32>,
        %get3A_756 = vector.shape_cast %get3A_755 : vector<1x16xf32> to vector<16xf32>
        %add3A_757 = arith.addf %get3A_756, %get3A_478 : vector<16xf32>
        %swap3A_758 = arith.constant 2 : i32
        %swap3A_759 = arith.constant 0 : i32
        %swap3A_760 = arith.constant 0 : i32
        %swap3A_761 = tpu.memref_slice %arg9[%swap3A_758, %swap3A_759, %swap3A_760] : memref<4x64x128xf32, #tpu.memory_space<vmem>> -> memref<1x64x128xf32, #tpu.memory_space<vmem>>
        %swap3A_762 = tpu.memref_squeeze %swap3A_761 : memref<1x64x128xf32, #tpu.memory_space<vmem>> -> memref<64x128xf32, #tpu.memory_space<vmem>>
        %swap3A_763 = arith.index_cast %scan3A_648 : i32 to index
        %swap3A_764 = arith.constant 80 : index
        %swap3A_765 = tpu.vector_load %swap3A_762[%swap3A_763, %swap3A_764] {strides = array<i32>} : memref<64x128xf32, #tpu.memory_space<vmem>>, vector<1x16xf32>,
        %swap3A_766 = vector.shape_cast %swap3A_765 : vector<1x16xf32> to vector<16xf32>
        %swap3A_767 = vector.shape_cast %add3A_757 : vector<16xf32> to vector<1x16xf32>
        tpu.vector_store %swap3A_762[%swap3A_763, %swap3A_764], %swap3A_767 {strides = array<i32>} : memref<64x128xf32, #tpu.memory_space<vmem>>, vector<1x16xf32>,
        %get3A_768 = arith.constant 2 : i32
        %get3A_769 = arith.constant 0 : i32
        %get3A_770 = arith.constant 0 : i32
        %get3A_771 = tpu.memref_slice %arg8[%get3A_768, %get3A_769, %get3A_770] : memref<4x64x128xf32, #tpu.memory_space<vmem>> -> memref<1x64x128xf32, #tpu.memory_space<vmem>>
        %get3A_772 = tpu.memref_squeeze %get3A_771 : memref<1x64x128xf32, #tpu.memory_space<vmem>> -> memref<64x128xf32, #tpu.memory_space<vmem>>
        %get3A_773 = arith.index_cast %scan3A_648 : i32 to index
        %get3A_774 = arith.constant 96 : index
        %get3A_775 = tpu.vector_load %get3A_772[%get3A_773, %get3A_774] {strides = array<i32>} : memref<64x128xf32, #tpu.memory_space<vmem>>, vector<1x16xf32>,
        %get3A_776 = vector.shape_cast %get3A_775 : vector<1x16xf32> to vector<16xf32>
        %add3A_777 = arith.addf %get3A_776, %get3A_485 : vector<16xf32>
        %swap3A_778 = arith.constant 2 : i32
        %swap3A_779 = arith.constant 0 : i32
        %swap3A_780 = arith.constant 0 : i32
        %swap3A_781 = tpu.memref_slice %arg9[%swap3A_778, %swap3A_779, %swap3A_780] : memref<4x64x128xf32, #tpu.memory_space<vmem>> -> memref<1x64x128xf32, #tpu.memory_space<vmem>>
        %swap3A_782 = tpu.memref_squeeze %swap3A_781 : memref<1x64x128xf32, #tpu.memory_space<vmem>> -> memref<64x128xf32, #tpu.memory_space<vmem>>
        %swap3A_783 = arith.index_cast %scan3A_648 : i32 to index
        %swap3A_784 = arith.constant 96 : index
        %swap3A_785 = tpu.vector_load %swap3A_782[%swap3A_783, %swap3A_784] {strides = array<i32>} : memref<64x128xf32, #tpu.memory_space<vmem>>, vector<1x16xf32>,
        %swap3A_786 = vector.shape_cast %swap3A_785 : vector<1x16xf32> to vector<16xf32>
        %swap3A_787 = vector.shape_cast %add3A_777 : vector<16xf32> to vector<1x16xf32>
        tpu.vector_store %swap3A_782[%swap3A_783, %swap3A_784], %swap3A_787 {strides = array<i32>} : memref<64x128xf32, #tpu.memory_space<vmem>>, vector<1x16xf32>,
        %get3A_788 = arith.constant 2 : i32
        %get3A_789 = arith.constant 0 : i32
        %get3A_790 = arith.constant 0 : i32
        %get3A_791 = tpu.memref_slice %arg8[%get3A_788, %get3A_789, %get3A_790] : memref<4x64x128xf32, #tpu.memory_space<vmem>> -> memref<1x64x128xf32, #tpu.memory_space<vmem>>
        %get3A_792 = tpu.memref_squeeze %get3A_791 : memref<1x64x128xf32, #tpu.memory_space<vmem>> -> memref<64x128xf32, #tpu.memory_space<vmem>>
        %get3A_793 = arith.index_cast %scan3A_648 : i32 to index
        %get3A_794 = arith.constant 112 : index
        %get3A_795 = tpu.vector_load %get3A_792[%get3A_793, %get3A_794] {strides = array<i32>} : memref<64x128xf32, #tpu.memory_space<vmem>>, vector<1x16xf32>,
        %get3A_796 = vector.shape_cast %get3A_795 : vector<1x16xf32> to vector<16xf32>
        %add3A_797 = arith.addf %get3A_796, %get3A_492 : vector<16xf32>
        %swap3A_798 = arith.constant 2 : i32
        %swap3A_799 = arith.constant 0 : i32
        %swap3A_800 = arith.constant 0 : i32
        %swap3A_801 = tpu.memref_slice %arg9[%swap3A_798, %swap3A_799, %swap3A_800] : memref<4x64x128xf32, #tpu.memory_space<vmem>> -> memref<1x64x128xf32, #tpu.memory_space<vmem>>
        %swap3A_802 = tpu.memref_squeeze %swap3A_801 : memref<1x64x128xf32, #tpu.memory_space<vmem>> -> memref<64x128xf32, #tpu.memory_space<vmem>>
        %swap3A_803 = arith.index_cast %scan3A_648 : i32 to index
        %swap3A_804 = arith.constant 112 : index
        %swap3A_805 = tpu.vector_load %swap3A_802[%swap3A_803, %swap3A_804] {strides = array<i32>} : memref<64x128xf32, #tpu.memory_space<vmem>>, vector<1x16xf32>,
        %swap3A_806 = vector.shape_cast %swap3A_805 : vector<1x16xf32> to vector<16xf32>
        %swap3A_807 = vector.shape_cast %add3A_797 : vector<16xf32> to vector<1x16xf32>
        tpu.vector_store %swap3A_802[%swap3A_803, %swap3A_804], %swap3A_807 {strides = array<i32>} : memref<64x128xf32, #tpu.memory_space<vmem>>, vector<1x16xf32>,
      }
      %scan3A_497 = arith.constant 64 : i32
      %dma_start3A_498 = arith.constant 2 : i32
      %dma_start3A_499 = arith.constant 0 : i32
      %dma_start3A_500 = arith.constant 0 : i32
      %dma_start3A_501 = tpu.memref_slice %arg9[%dma_start3A_498, %dma_start3A_499, %dma_start3A_500] : memref<4x64x128xf32, #tpu.memory_space<vmem>> -> memref<1x64x128xf32, #tpu.memory_space<vmem>>
      %dma_start3A_502 = tpu.memref_squeeze %dma_start3A_501 : memref<1x64x128xf32, #tpu.memory_space<vmem>> -> memref<64x128xf32, #tpu.memory_space<vmem>>
      %dma_start3A_503 = arith.constant 0 : i32
      %dma_start3A_504 = tpu.memref_slice %arg5[%add3A_394, %dma_start3A_503] : memref<204800x128xf32, #tpu.memory_space<hbm>> -> memref<64x128xf32, #tpu.memory_space<hbm>>
      %dma_start3A_505 = arith.constant 0 : i32
      %dma_start3A_506 = tpu.memref_slice %arg5[%add3A_394, %dma_start3A_505] : memref<204800x128xf32, #tpu.memory_space<hbm>> -> memref<64x128xf32, #tpu.memory_space<hbm>>
      %dma_start3A_507 = arith.constant 0 : i32
      %dma_start3A_508 = arith.constant 0 : i32
      %dma_start3A_509 = tpu.memref_slice %arg9[%dma_start3A_498, %dma_start3A_507, %dma_start3A_508] : memref<4x64x128xf32, #tpu.memory_space<vmem>> -> memref<1x64x128xf32, #tpu.memory_space<vmem>>
      %dma_start3A_510 = tpu.memref_squeeze %dma_start3A_509 : memref<1x64x128xf32, #tpu.memory_space<vmem>> -> memref<64x128xf32, #tpu.memory_space<vmem>>
      tpu.enqueue_dma source(%dma_start3A_510 : memref<64x128xf32, #tpu.memory_space<vmem>>) target(%dma_start3A_506 : memref<64x128xf32, #tpu.memory_space<hbm>>) target_semaphore(%arg16 : memref<!tpu.dma_semaphore, #tpu.memory_space<semaphore_mem>>)
      %add3A_511 = arith.constant 4 : i32
      %add3A_512 = arith.addi %add3A_391, %add3A_511 : i32
      %lt3A_513 = arith.constant 100 : i32
      %lt3A_514 = arith.cmpi slt, %add3A_512, %lt3A_513 : i32
      %convert_element_type3A_515 = arith.extui %lt3A_514 : i1 to i32
      %cond3A_516 = arith.constant 0 : i32
      %cond3A_517 = arith.cmpi ne, %convert_element_type3A_515, %cond3A_516 : i32
      scf.if %cond3A_517 {
        %add3A_648 = arith.constant 4 : i32
        %add3A_649 = arith.addi %add3A_391, %add3A_648 : i32
        %dma_start3A_650 = arith.constant 2 : i32
        %dma_start3A_651 = arith.constant 0 : i32
        %dma_start3A_652 = arith.constant 0 : i32
        %dma_start3A_653 = tpu.memref_slice %arg8[%dma_start3A_650, %dma_start3A_651, %dma_start3A_652] : memref<4x64x128xf32, #tpu.memory_space<vmem>> -> memref<1x64x128xf32, #tpu.memory_space<vmem>>
        %dma_start3A_654 = tpu.memref_squeeze %dma_start3A_653 : memref<1x64x128xf32, #tpu.memory_space<vmem>> -> memref<64x128xf32, #tpu.memory_space<vmem>>
        %dma_start3A_655 = arith.constant 0 : i32
        %dma_start3A_656 = tpu.memref_slice %arg6[%add3A_649, %dma_start3A_655] : memref<100x64xi32, #tpu.memory_space<vmem>> -> memref<1x64xi32, #tpu.memory_space<vmem>>
        %dma_start3A_657 = tpu.memref_squeeze %dma_start3A_656 : memref<1x64xi32, #tpu.memory_space<vmem>> -> memref<64xi32, #tpu.memory_space<vmem>>
        %dma_start3A_658 = arith.constant 0 : i32
        %dma_start3A_659 = arith.constant 0 : i32
        %dma_start3A_660 = tpu.memref_slice %arg3[%dma_start3A_658, %dma_start3A_659] : memref<100000x128xf32, #tpu.memory_space<hbm>> -> memref<100000x128xf32, #tpu.memory_space<hbm>>
        tpu.enqueue_indirect_dma source(%dma_start3A_660 : memref<100000x128xf32, #tpu.memory_space<hbm>>) target(%dma_start3A_654 : memref<64x128xf32, #tpu.memory_space<vmem>>) offsets(%dma_start3A_657 : memref<64xi32, #tpu.memory_space<vmem>>) semaphore(%arg12 : memref<!tpu.dma_semaphore, #tpu.memory_space<semaphore_mem>>)
      } else {
      }
      %mul3A_518 = arith.constant 4 : i32
      %mul3A_519 = arith.muli %scan3A_132, %mul3A_518 : i32
      %add3A_520 = arith.constant 3 : i32
      %add3A_521 = arith.addi %mul3A_519, %add3A_520 : i32
      %mul3A_522 = arith.constant 64 : i32
      %mul3A_523 = arith.muli %add3A_521, %mul3A_522 : i32
      %add3A_524 = arith.addi %mul3A_2, %mul3A_523 : i32
      %dma_wait3A_525 = arith.constant 0 : i32
      %dma_wait3A_526 = arith.constant 3 : i32
      %dma_wait3A_527 = arith.constant 0 : i32
      %dma_wait3A_528 = arith.constant 0 : i32
      %dma_wait3A_529 = tpu.memref_slice %arg8[%dma_wait3A_526, %dma_wait3A_527, %dma_wait3A_528] : memref<4x64x128xf32, #tpu.memory_space<vmem>> -> memref<1x64x128xf32, #tpu.memory_space<vmem>>
      %dma_wait3A_530 = tpu.memref_squeeze %dma_wait3A_529 : memref<1x64x128xf32, #tpu.memory_space<vmem>> -> memref<64x128xf32, #tpu.memory_space<vmem>>
      %dma_wait3A_531 = arith.constant 0 : i32
      %dma_wait3A_532 = tpu.memref_slice %arg6[%dma_wait3A_525, %dma_wait3A_531] : memref<100x64xi32, #tpu.memory_space<vmem>> -> memref<1x64xi32, #tpu.memory_space<vmem>>
      %dma_wait3A_533 = tpu.memref_squeeze %dma_wait3A_532 : memref<1x64xi32, #tpu.memory_space<vmem>> -> memref<64xi32, #tpu.memory_space<vmem>>
      %dma_wait3A_534 = arith.constant 0 : i32
      %dma_wait3A_535 = arith.constant 0 : i32
      %dma_wait3A_536 = tpu.memref_slice %arg3[%dma_wait3A_534, %dma_wait3A_535] : memref<100000x128xf32, #tpu.memory_space<hbm>> -> memref<100000x128xf32, #tpu.memory_space<hbm>>
      tpu.wait_indirect_dma semaphore(%arg13 : memref<!tpu.dma_semaphore, #tpu.memory_space<semaphore_mem>>) src(%dma_wait3A_536 : memref<100000x128xf32, #tpu.memory_space<hbm>>) dst(%dma_wait3A_530 : memref<64x128xf32, #tpu.memory_space<vmem>>)
      %ge3A_537 = arith.constant 4 : i32
      %ge3A_538 = arith.cmpi sge, %add3A_521, %ge3A_537 : i32
      %convert_element_type3A_539 = arith.extui %ge3A_538 : i1 to i32
      %cond3A_540 = arith.constant 0 : i32
      %cond3A_541 = arith.cmpi ne, %convert_element_type3A_539, %cond3A_540 : i32
      scf.if %cond3A_541 {
        %dma_wait3A_648 = arith.constant 3 : i32
        %dma_wait3A_649 = arith.constant 0 : i32
        %dma_wait3A_650 = arith.constant 0 : i32
        %dma_wait3A_651 = tpu.memref_slice %arg9[%dma_wait3A_648, %dma_wait3A_649, %dma_wait3A_650] : memref<4x64x128xf32, #tpu.memory_space<vmem>> -> memref<1x64x128xf32, #tpu.memory_space<vmem>>
        %dma_wait3A_652 = tpu.memref_squeeze %dma_wait3A_651 : memref<1x64x128xf32, #tpu.memory_space<vmem>> -> memref<64x128xf32, #tpu.memory_space<vmem>>
        %dma_wait3A_653 = arith.constant 0 : i32
        %dma_wait3A_654 = arith.constant 0 : i32
        %dma_wait3A_655 = tpu.memref_slice %arg5[%dma_wait3A_653, %dma_wait3A_654] : memref<204800x128xf32, #tpu.memory_space<hbm>> -> memref<64x128xf32, #tpu.memory_space<hbm>>
        %dma_wait3A_656 = arith.constant 0 : i32
        %dma_wait3A_657 = arith.constant 0 : i32
        %dma_wait3A_658 = tpu.memref_slice %arg5[%dma_wait3A_656, %dma_wait3A_657] : memref<204800x128xf32, #tpu.memory_space<hbm>> -> memref<64x128xf32, #tpu.memory_space<hbm>>
        %dma_wait3A_659 = arith.constant 0 : i32
        %dma_wait3A_660 = arith.constant 0 : i32
        %dma_wait3A_661 = tpu.memref_slice %arg9[%dma_wait3A_648, %dma_wait3A_659, %dma_wait3A_660] : memref<4x64x128xf32, #tpu.memory_space<vmem>> -> memref<1x64x128xf32, #tpu.memory_space<vmem>>
        %dma_wait3A_662 = tpu.memref_squeeze %dma_wait3A_661 : memref<1x64x128xf32, #tpu.memory_space<vmem>> -> memref<64x128xf32, #tpu.memory_space<vmem>>
        tpu.wait_dma2 semaphore(%arg17 : memref<!tpu.dma_semaphore, #tpu.memory_space<semaphore_mem>>) src(%dma_wait3A_662 : memref<64x128xf32, #tpu.memory_space<vmem>>) dst(%dma_wait3A_658 : memref<64x128xf32, #tpu.memory_space<hbm>>)
      } else {
      }
      %jit3A_542 = arith.constant 1024 : i32
      %div3A_543 = arith.divsi %add3A_524, %jit3A_542 : i32
      %sign3A_544 = arith.constant 0 : i32
      %sign3A_545 = arith.cmpi sgt, %add3A_524, %sign3A_544 : i32
      %sign3A_546 = arith.extui %sign3A_545 : i1 to i32
      %sign3A_547 = arith.constant 0 : i32
      %sign3A_548 = arith.cmpi slt, %add3A_524, %sign3A_547 : i32
      %sign3A_549 = arith.extui %sign3A_548 : i1 to i32
      %sign3A_550 = arith.subi %sign3A_546, %sign3A_549 : i32
      %sign3A_551 = arith.constant 0 : i32
      %sign3A_552 = arith.cmpi sgt, %jit3A_542, %sign3A_551 : i32
      %sign3A_553 = arith.extui %sign3A_552 : i1 to i32
      %sign3A_554 = arith.constant 0 : i32
      %sign3A_555 = arith.cmpi slt, %jit3A_542, %sign3A_554 : i32
      %sign3A_556 = arith.extui %sign3A_555 : i1 to i32
      %sign3A_557 = arith.subi %sign3A_553, %sign3A_556 : i32
      %ne3A_558 = arith.cmpi ne, %sign3A_550, %sign3A_557 : i32
      %rem3A_559 = arith.remsi %add3A_524, %jit3A_542 : i32
      %ne3A_560 = arith.constant 0 : i32
      %ne3A_561 = arith.cmpi ne, %rem3A_559, %ne3A_560 : i32
      %and3A_562 = arith.andi %ne3A_558, %ne3A_561 : i1
      %sub3A_563 = arith.constant 1 : i32
      %sub3A_564 = arith.subi %div3A_543, %sub3A_563 : i32
      %select_n3A_565 = arith.select %and3A_562, %sub3A_564, %div3A_543 : i32
      %sub3A_566 = arith.subi %select_n3A_565, %select_n3A : i32
      %mul3A_567 = arith.constant 128 : i32
      %mul3A_568 = arith.muli %sub3A_566, %mul3A_567 : i32
      %add3A_569 = arith.constant 0 : i32
      %add3A_570 = arith.addi %mul3A_568, %add3A_569 : i32
      %get3A_571 = arith.index_cast %add3A_570 : i32 to index
      %get3A_572 = tpu.vector_load %arg7[%get3A_571] {strides = array<i32>} : memref<1024xf32, #tpu.memory_space<vmem>>, vector<16xf32>,
      %get3A_573 = vector.shape_cast %get3A_572 : vector<16xf32> to vector<16xf32>
      %mul3A_574 = arith.constant 128 : i32
      %mul3A_575 = arith.muli %sub3A_566, %mul3A_574 : i32
      %add3A_576 = arith.constant 16 : i32
      %add3A_577 = arith.addi %mul3A_575, %add3A_576 : i32
      %get3A_578 = arith.index_cast %add3A_577 : i32 to index
      %get3A_579 = tpu.vector_load %arg7[%get3A_578] {strides = array<i32>} : memref<1024xf32, #tpu.memory_space<vmem>>, vector<16xf32>,
      %get3A_580 = vector.shape_cast %get3A_579 : vector<16xf32> to vector<16xf32>
      %mul3A_581 = arith.constant 128 : i32
      %mul3A_582 = arith.muli %sub3A_566, %mul3A_581 : i32
      %add3A_583 = arith.constant 32 : i32
      %add3A_584 = arith.addi %mul3A_582, %add3A_583 : i32
      %get3A_585 = arith.index_cast %add3A_584 : i32 to index
      %get3A_586 = tpu.vector_load %arg7[%get3A_585] {strides = array<i32>} : memref<1024xf32, #tpu.memory_space<vmem>>, vector<16xf32>,
      %get3A_587 = vector.shape_cast %get3A_586 : vector<16xf32> to vector<16xf32>
      %mul3A_588 = arith.constant 128 : i32
      %mul3A_589 = arith.muli %sub3A_566, %mul3A_588 : i32
      %add3A_590 = arith.constant 48 : i32
      %add3A_591 = arith.addi %mul3A_589, %add3A_590 : i32
      %get3A_592 = arith.index_cast %add3A_591 : i32 to index
      %get3A_593 = tpu.vector_load %arg7[%get3A_592] {strides = array<i32>} : memref<1024xf32, #tpu.memory_space<vmem>>, vector<16xf32>,
      %get3A_594 = vector.shape_cast %get3A_593 : vector<16xf32> to vector<16xf32>
      %mul3A_595 = arith.constant 128 : i32
      %mul3A_596 = arith.muli %sub3A_566, %mul3A_595 : i32
      %add3A_597 = arith.constant 64 : i32
      %add3A_598 = arith.addi %mul3A_596, %add3A_597 : i32
      %get3A_599 = arith.index_cast %add3A_598 : i32 to index
      %get3A_600 = tpu.vector_load %arg7[%get3A_599] {strides = array<i32>} : memref<1024xf32, #tpu.memory_space<vmem>>, vector<16xf32>,
      %get3A_601 = vector.shape_cast %get3A_600 : vector<16xf32> to vector<16xf32>
      %mul3A_602 = arith.constant 128 : i32
      %mul3A_603 = arith.muli %sub3A_566, %mul3A_602 : i32
      %add3A_604 = arith.constant 80 : i32
      %add3A_605 = arith.addi %mul3A_603, %add3A_604 : i32
      %get3A_606 = arith.index_cast %add3A_605 : i32 to index
      %get3A_607 = tpu.vector_load %arg7[%get3A_606] {strides = array<i32>} : memref<1024xf32, #tpu.memory_space<vmem>>, vector<16xf32>,
      %get3A_608 = vector.shape_cast %get3A_607 : vector<16xf32> to vector<16xf32>
      %mul3A_609 = arith.constant 128 : i32
      %mul3A_610 = arith.muli %sub3A_566, %mul3A_609 : i32
      %add3A_611 = arith.constant 96 : i32
      %add3A_612 = arith.addi %mul3A_610, %add3A_611 : i32
      %get3A_613 = arith.index_cast %add3A_612 : i32 to index
      %get3A_614 = tpu.vector_load %arg7[%get3A_613] {strides = array<i32>} : memref<1024xf32, #tpu.memory_space<vmem>>, vector<16xf32>,
      %get3A_615 = vector.shape_cast %get3A_614 : vector<16xf32> to vector<16xf32>
      %mul3A_616 = arith.constant 128 : i32
      %mul3A_617 = arith.muli %sub3A_566, %mul3A_616 : i32
      %add3A_618 = arith.constant 112 : i32
      %add3A_619 = arith.addi %mul3A_617, %add3A_618 : i32
      %get3A_620 = arith.index_cast %add3A_619 : i32 to index
      %get3A_621 = tpu.vector_load %arg7[%get3A_620] {strides = array<i32>} : memref<1024xf32, #tpu.memory_space<vmem>>, vector<16xf32>,
      %get3A_622 = vector.shape_cast %get3A_621 : vector<16xf32> to vector<16xf32>
      %scan3A_623 = arith.constant 0 : i32
      %scan3A_624 = arith.constant 64 : i32
      %scan3A_625 = arith.addi %scan3A_623, %scan3A_624 : i32
      %scan3A_626 = arith.constant 1 : i32
      scf.for %scan3A_648 = %scan3A_623 to %scan3A_625 step %scan3A_626  : i32 {
        %get3A_649 = arith.constant 3 : i32
        %get3A_650 = arith.constant 0 : i32
        %get3A_651 = arith.constant 0 : i32
        %get3A_652 = tpu.memref_slice %arg8[%get3A_649, %get3A_650, %get3A_651] : memref<4x64x128xf32, #tpu.memory_space<vmem>> -> memref<1x64x128xf32, #tpu.memory_space<vmem>>
        %get3A_653 = tpu.memref_squeeze %get3A_652 : memref<1x64x128xf32, #tpu.memory_space<vmem>> -> memref<64x128xf32, #tpu.memory_space<vmem>>
        %get3A_654 = arith.index_cast %scan3A_648 : i32 to index
        %get3A_655 = arith.constant 0 : index
        %get3A_656 = tpu.vector_load %get3A_653[%get3A_654, %get3A_655] {strides = array<i32>} : memref<64x128xf32, #tpu.memory_space<vmem>>, vector<1x16xf32>,
        %get3A_657 = vector.shape_cast %get3A_656 : vector<1x16xf32> to vector<16xf32>
        %add3A_658 = arith.addf %get3A_657, %get3A_573 : vector<16xf32>
        %swap3A = arith.constant 3 : i32
        %swap3A_659 = arith.constant 0 : i32
        %swap3A_660 = arith.constant 0 : i32
        %swap3A_661 = tpu.memref_slice %arg9[%swap3A, %swap3A_659, %swap3A_660] : memref<4x64x128xf32, #tpu.memory_space<vmem>> -> memref<1x64x128xf32, #tpu.memory_space<vmem>>
        %swap3A_662 = tpu.memref_squeeze %swap3A_661 : memref<1x64x128xf32, #tpu.memory_space<vmem>> -> memref<64x128xf32, #tpu.memory_space<vmem>>
        %swap3A_663 = arith.index_cast %scan3A_648 : i32 to index
        %swap3A_664 = arith.constant 0 : index
        %swap3A_665 = tpu.vector_load %swap3A_662[%swap3A_663, %swap3A_664] {strides = array<i32>} : memref<64x128xf32, #tpu.memory_space<vmem>>, vector<1x16xf32>,
        %swap3A_666 = vector.shape_cast %swap3A_665 : vector<1x16xf32> to vector<16xf32>
        %swap3A_667 = vector.shape_cast %add3A_658 : vector<16xf32> to vector<1x16xf32>
        tpu.vector_store %swap3A_662[%swap3A_663, %swap3A_664], %swap3A_667 {strides = array<i32>} : memref<64x128xf32, #tpu.memory_space<vmem>>, vector<1x16xf32>,
        %get3A_668 = arith.constant 3 : i32
        %get3A_669 = arith.constant 0 : i32
        %get3A_670 = arith.constant 0 : i32
        %get3A_671 = tpu.memref_slice %arg8[%get3A_668, %get3A_669, %get3A_670] : memref<4x64x128xf32, #tpu.memory_space<vmem>> -> memref<1x64x128xf32, #tpu.memory_space<vmem>>
        %get3A_672 = tpu.memref_squeeze %get3A_671 : memref<1x64x128xf32, #tpu.memory_space<vmem>> -> memref<64x128xf32, #tpu.memory_space<vmem>>
        %get3A_673 = arith.index_cast %scan3A_648 : i32 to index
        %get3A_674 = arith.constant 16 : index
        %get3A_675 = tpu.vector_load %get3A_672[%get3A_673, %get3A_674] {strides = array<i32>} : memref<64x128xf32, #tpu.memory_space<vmem>>, vector<1x16xf32>,
        %get3A_676 = vector.shape_cast %get3A_675 : vector<1x16xf32> to vector<16xf32>
        %add3A_677 = arith.addf %get3A_676, %get3A_580 : vector<16xf32>
        %swap3A_678 = arith.constant 3 : i32
        %swap3A_679 = arith.constant 0 : i32
        %swap3A_680 = arith.constant 0 : i32
        %swap3A_681 = tpu.memref_slice %arg9[%swap3A_678, %swap3A_679, %swap3A_680] : memref<4x64x128xf32, #tpu.memory_space<vmem>> -> memref<1x64x128xf32, #tpu.memory_space<vmem>>
        %swap3A_682 = tpu.memref_squeeze %swap3A_681 : memref<1x64x128xf32, #tpu.memory_space<vmem>> -> memref<64x128xf32, #tpu.memory_space<vmem>>
        %swap3A_683 = arith.index_cast %scan3A_648 : i32 to index
        %swap3A_684 = arith.constant 16 : index
        %swap3A_685 = tpu.vector_load %swap3A_682[%swap3A_683, %swap3A_684] {strides = array<i32>} : memref<64x128xf32, #tpu.memory_space<vmem>>, vector<1x16xf32>,
        %swap3A_686 = vector.shape_cast %swap3A_685 : vector<1x16xf32> to vector<16xf32>
        %swap3A_687 = vector.shape_cast %add3A_677 : vector<16xf32> to vector<1x16xf32>
        tpu.vector_store %swap3A_682[%swap3A_683, %swap3A_684], %swap3A_687 {strides = array<i32>} : memref<64x128xf32, #tpu.memory_space<vmem>>, vector<1x16xf32>,
        %get3A_688 = arith.constant 3 : i32
        %get3A_689 = arith.constant 0 : i32
        %get3A_690 = arith.constant 0 : i32
        %get3A_691 = tpu.memref_slice %arg8[%get3A_688, %get3A_689, %get3A_690] : memref<4x64x128xf32, #tpu.memory_space<vmem>> -> memref<1x64x128xf32, #tpu.memory_space<vmem>>
        %get3A_692 = tpu.memref_squeeze %get3A_691 : memref<1x64x128xf32, #tpu.memory_space<vmem>> -> memref<64x128xf32, #tpu.memory_space<vmem>>
        %get3A_693 = arith.index_cast %scan3A_648 : i32 to index
        %get3A_694 = arith.constant 32 : index
        %get3A_695 = tpu.vector_load %get3A_692[%get3A_693, %get3A_694] {strides = array<i32>} : memref<64x128xf32, #tpu.memory_space<vmem>>, vector<1x16xf32>,
        %get3A_696 = vector.shape_cast %get3A_695 : vector<1x16xf32> to vector<16xf32>
        %add3A_697 = arith.addf %get3A_696, %get3A_587 : vector<16xf32>
        %swap3A_698 = arith.constant 3 : i32
        %swap3A_699 = arith.constant 0 : i32
        %swap3A_700 = arith.constant 0 : i32
        %swap3A_701 = tpu.memref_slice %arg9[%swap3A_698, %swap3A_699, %swap3A_700] : memref<4x64x128xf32, #tpu.memory_space<vmem>> -> memref<1x64x128xf32, #tpu.memory_space<vmem>>
        %swap3A_702 = tpu.memref_squeeze %swap3A_701 : memref<1x64x128xf32, #tpu.memory_space<vmem>> -> memref<64x128xf32, #tpu.memory_space<vmem>>
        %swap3A_703 = arith.index_cast %scan3A_648 : i32 to index
        %swap3A_704 = arith.constant 32 : index
        %swap3A_705 = tpu.vector_load %swap3A_702[%swap3A_703, %swap3A_704] {strides = array<i32>} : memref<64x128xf32, #tpu.memory_space<vmem>>, vector<1x16xf32>,
        %swap3A_706 = vector.shape_cast %swap3A_705 : vector<1x16xf32> to vector<16xf32>
        %swap3A_707 = vector.shape_cast %add3A_697 : vector<16xf32> to vector<1x16xf32>
        tpu.vector_store %swap3A_702[%swap3A_703, %swap3A_704], %swap3A_707 {strides = array<i32>} : memref<64x128xf32, #tpu.memory_space<vmem>>, vector<1x16xf32>,
        %get3A_708 = arith.constant 3 : i32
        %get3A_709 = arith.constant 0 : i32
        %get3A_710 = arith.constant 0 : i32
        %get3A_711 = tpu.memref_slice %arg8[%get3A_708, %get3A_709, %get3A_710] : memref<4x64x128xf32, #tpu.memory_space<vmem>> -> memref<1x64x128xf32, #tpu.memory_space<vmem>>
        %get3A_712 = tpu.memref_squeeze %get3A_711 : memref<1x64x128xf32, #tpu.memory_space<vmem>> -> memref<64x128xf32, #tpu.memory_space<vmem>>
        %get3A_713 = arith.index_cast %scan3A_648 : i32 to index
        %get3A_714 = arith.constant 48 : index
        %get3A_715 = tpu.vector_load %get3A_712[%get3A_713, %get3A_714] {strides = array<i32>} : memref<64x128xf32, #tpu.memory_space<vmem>>, vector<1x16xf32>,
        %get3A_716 = vector.shape_cast %get3A_715 : vector<1x16xf32> to vector<16xf32>
        %add3A_717 = arith.addf %get3A_716, %get3A_594 : vector<16xf32>
        %swap3A_718 = arith.constant 3 : i32
        %swap3A_719 = arith.constant 0 : i32
        %swap3A_720 = arith.constant 0 : i32
        %swap3A_721 = tpu.memref_slice %arg9[%swap3A_718, %swap3A_719, %swap3A_720] : memref<4x64x128xf32, #tpu.memory_space<vmem>> -> memref<1x64x128xf32, #tpu.memory_space<vmem>>
        %swap3A_722 = tpu.memref_squeeze %swap3A_721 : memref<1x64x128xf32, #tpu.memory_space<vmem>> -> memref<64x128xf32, #tpu.memory_space<vmem>>
        %swap3A_723 = arith.index_cast %scan3A_648 : i32 to index
        %swap3A_724 = arith.constant 48 : index
        %swap3A_725 = tpu.vector_load %swap3A_722[%swap3A_723, %swap3A_724] {strides = array<i32>} : memref<64x128xf32, #tpu.memory_space<vmem>>, vector<1x16xf32>,
        %swap3A_726 = vector.shape_cast %swap3A_725 : vector<1x16xf32> to vector<16xf32>
        %swap3A_727 = vector.shape_cast %add3A_717 : vector<16xf32> to vector<1x16xf32>
        tpu.vector_store %swap3A_722[%swap3A_723, %swap3A_724], %swap3A_727 {strides = array<i32>} : memref<64x128xf32, #tpu.memory_space<vmem>>, vector<1x16xf32>,
        %get3A_728 = arith.constant 3 : i32
        %get3A_729 = arith.constant 0 : i32
        %get3A_730 = arith.constant 0 : i32
        %get3A_731 = tpu.memref_slice %arg8[%get3A_728, %get3A_729, %get3A_730] : memref<4x64x128xf32, #tpu.memory_space<vmem>> -> memref<1x64x128xf32, #tpu.memory_space<vmem>>
        %get3A_732 = tpu.memref_squeeze %get3A_731 : memref<1x64x128xf32, #tpu.memory_space<vmem>> -> memref<64x128xf32, #tpu.memory_space<vmem>>
        %get3A_733 = arith.index_cast %scan3A_648 : i32 to index
        %get3A_734 = arith.constant 64 : index
        %get3A_735 = tpu.vector_load %get3A_732[%get3A_733, %get3A_734] {strides = array<i32>} : memref<64x128xf32, #tpu.memory_space<vmem>>, vector<1x16xf32>,
        %get3A_736 = vector.shape_cast %get3A_735 : vector<1x16xf32> to vector<16xf32>
        %add3A_737 = arith.addf %get3A_736, %get3A_601 : vector<16xf32>
        %swap3A_738 = arith.constant 3 : i32
        %swap3A_739 = arith.constant 0 : i32
        %swap3A_740 = arith.constant 0 : i32
        %swap3A_741 = tpu.memref_slice %arg9[%swap3A_738, %swap3A_739, %swap3A_740] : memref<4x64x128xf32, #tpu.memory_space<vmem>> -> memref<1x64x128xf32, #tpu.memory_space<vmem>>
        %swap3A_742 = tpu.memref_squeeze %swap3A_741 : memref<1x64x128xf32, #tpu.memory_space<vmem>> -> memref<64x128xf32, #tpu.memory_space<vmem>>
        %swap3A_743 = arith.index_cast %scan3A_648 : i32 to index
        %swap3A_744 = arith.constant 64 : index
        %swap3A_745 = tpu.vector_load %swap3A_742[%swap3A_743, %swap3A_744] {strides = array<i32>} : memref<64x128xf32, #tpu.memory_space<vmem>>, vector<1x16xf32>,
        %swap3A_746 = vector.shape_cast %swap3A_745 : vector<1x16xf32> to vector<16xf32>
        %swap3A_747 = vector.shape_cast %add3A_737 : vector<16xf32> to vector<1x16xf32>
        tpu.vector_store %swap3A_742[%swap3A_743, %swap3A_744], %swap3A_747 {strides = array<i32>} : memref<64x128xf32, #tpu.memory_space<vmem>>, vector<1x16xf32>,
        %get3A_748 = arith.constant 3 : i32
        %get3A_749 = arith.constant 0 : i32
        %get3A_750 = arith.constant 0 : i32
        %get3A_751 = tpu.memref_slice %arg8[%get3A_748, %get3A_749, %get3A_750] : memref<4x64x128xf32, #tpu.memory_space<vmem>> -> memref<1x64x128xf32, #tpu.memory_space<vmem>>
        %get3A_752 = tpu.memref_squeeze %get3A_751 : memref<1x64x128xf32, #tpu.memory_space<vmem>> -> memref<64x128xf32, #tpu.memory_space<vmem>>
        %get3A_753 = arith.index_cast %scan3A_648 : i32 to index
        %get3A_754 = arith.constant 80 : index
        %get3A_755 = tpu.vector_load %get3A_752[%get3A_753, %get3A_754] {strides = array<i32>} : memref<64x128xf32, #tpu.memory_space<vmem>>, vector<1x16xf32>,
        %get3A_756 = vector.shape_cast %get3A_755 : vector<1x16xf32> to vector<16xf32>
        %add3A_757 = arith.addf %get3A_756, %get3A_608 : vector<16xf32>
        %swap3A_758 = arith.constant 3 : i32
        %swap3A_759 = arith.constant 0 : i32
        %swap3A_760 = arith.constant 0 : i32
        %swap3A_761 = tpu.memref_slice %arg9[%swap3A_758, %swap3A_759, %swap3A_760] : memref<4x64x128xf32, #tpu.memory_space<vmem>> -> memref<1x64x128xf32, #tpu.memory_space<vmem>>
        %swap3A_762 = tpu.memref_squeeze %swap3A_761 : memref<1x64x128xf32, #tpu.memory_space<vmem>> -> memref<64x128xf32, #tpu.memory_space<vmem>>
        %swap3A_763 = arith.index_cast %scan3A_648 : i32 to index
        %swap3A_764 = arith.constant 80 : index
        %swap3A_765 = tpu.vector_load %swap3A_762[%swap3A_763, %swap3A_764] {strides = array<i32>} : memref<64x128xf32, #tpu.memory_space<vmem>>, vector<1x16xf32>,
        %swap3A_766 = vector.shape_cast %swap3A_765 : vector<1x16xf32> to vector<16xf32>
        %swap3A_767 = vector.shape_cast %add3A_757 : vector<16xf32> to vector<1x16xf32>
        tpu.vector_store %swap3A_762[%swap3A_763, %swap3A_764], %swap3A_767 {strides = array<i32>} : memref<64x128xf32, #tpu.memory_space<vmem>>, vector<1x16xf32>,
        %get3A_768 = arith.constant 3 : i32
        %get3A_769 = arith.constant 0 : i32
        %get3A_770 = arith.constant 0 : i32
        %get3A_771 = tpu.memref_slice %arg8[%get3A_768, %get3A_769, %get3A_770] : memref<4x64x128xf32, #tpu.memory_space<vmem>> -> memref<1x64x128xf32, #tpu.memory_space<vmem>>
        %get3A_772 = tpu.memref_squeeze %get3A_771 : memref<1x64x128xf32, #tpu.memory_space<vmem>> -> memref<64x128xf32, #tpu.memory_space<vmem>>
        %get3A_773 = arith.index_cast %scan3A_648 : i32 to index
        %get3A_774 = arith.constant 96 : index
        %get3A_775 = tpu.vector_load %get3A_772[%get3A_773, %get3A_774] {strides = array<i32>} : memref<64x128xf32, #tpu.memory_space<vmem>>, vector<1x16xf32>,
        %get3A_776 = vector.shape_cast %get3A_775 : vector<1x16xf32> to vector<16xf32>
        %add3A_777 = arith.addf %get3A_776, %get3A_615 : vector<16xf32>
        %swap3A_778 = arith.constant 3 : i32
        %swap3A_779 = arith.constant 0 : i32
        %swap3A_780 = arith.constant 0 : i32
        %swap3A_781 = tpu.memref_slice %arg9[%swap3A_778, %swap3A_779, %swap3A_780] : memref<4x64x128xf32, #tpu.memory_space<vmem>> -> memref<1x64x128xf32, #tpu.memory_space<vmem>>
        %swap3A_782 = tpu.memref_squeeze %swap3A_781 : memref<1x64x128xf32, #tpu.memory_space<vmem>> -> memref<64x128xf32, #tpu.memory_space<vmem>>
        %swap3A_783 = arith.index_cast %scan3A_648 : i32 to index
        %swap3A_784 = arith.constant 96 : index
        %swap3A_785 = tpu.vector_load %swap3A_782[%swap3A_783, %swap3A_784] {strides = array<i32>} : memref<64x128xf32, #tpu.memory_space<vmem>>, vector<1x16xf32>,
        %swap3A_786 = vector.shape_cast %swap3A_785 : vector<1x16xf32> to vector<16xf32>
        %swap3A_787 = vector.shape_cast %add3A_777 : vector<16xf32> to vector<1x16xf32>
        tpu.vector_store %swap3A_782[%swap3A_783, %swap3A_784], %swap3A_787 {strides = array<i32>} : memref<64x128xf32, #tpu.memory_space<vmem>>, vector<1x16xf32>,
        %get3A_788 = arith.constant 3 : i32
        %get3A_789 = arith.constant 0 : i32
        %get3A_790 = arith.constant 0 : i32
        %get3A_791 = tpu.memref_slice %arg8[%get3A_788, %get3A_789, %get3A_790] : memref<4x64x128xf32, #tpu.memory_space<vmem>> -> memref<1x64x128xf32, #tpu.memory_space<vmem>>
        %get3A_792 = tpu.memref_squeeze %get3A_791 : memref<1x64x128xf32, #tpu.memory_space<vmem>> -> memref<64x128xf32, #tpu.memory_space<vmem>>
        %get3A_793 = arith.index_cast %scan3A_648 : i32 to index
        %get3A_794 = arith.constant 112 : index
        %get3A_795 = tpu.vector_load %get3A_792[%get3A_793, %get3A_794] {strides = array<i32>} : memref<64x128xf32, #tpu.memory_space<vmem>>, vector<1x16xf32>,
        %get3A_796 = vector.shape_cast %get3A_795 : vector<1x16xf32> to vector<16xf32>
        %add3A_797 = arith.addf %get3A_796, %get3A_622 : vector<16xf32>
        %swap3A_798 = arith.constant 3 : i32
        %swap3A_799 = arith.constant 0 : i32
        %swap3A_800 = arith.constant 0 : i32
        %swap3A_801 = tpu.memref_slice %arg9[%swap3A_798, %swap3A_799, %swap3A_800] : memref<4x64x128xf32, #tpu.memory_space<vmem>> -> memref<1x64x128xf32, #tpu.memory_space<vmem>>
        %swap3A_802 = tpu.memref_squeeze %swap3A_801 : memref<1x64x128xf32, #tpu.memory_space<vmem>> -> memref<64x128xf32, #tpu.memory_space<vmem>>
        %swap3A_803 = arith.index_cast %scan3A_648 : i32 to index
        %swap3A_804 = arith.constant 112 : index
        %swap3A_805 = tpu.vector_load %swap3A_802[%swap3A_803, %swap3A_804] {strides = array<i32>} : memref<64x128xf32, #tpu.memory_space<vmem>>, vector<1x16xf32>,
        %swap3A_806 = vector.shape_cast %swap3A_805 : vector<1x16xf32> to vector<16xf32>
        %swap3A_807 = vector.shape_cast %add3A_797 : vector<16xf32> to vector<1x16xf32>
        tpu.vector_store %swap3A_802[%swap3A_803, %swap3A_804], %swap3A_807 {strides = array<i32>} : memref<64x128xf32, #tpu.memory_space<vmem>>, vector<1x16xf32>,
      }
      %scan3A_627 = arith.constant 64 : i32
      %dma_start3A_628 = arith.constant 3 : i32
      %dma_start3A_629 = arith.constant 0 : i32
      %dma_start3A_630 = arith.constant 0 : i32
      %dma_start3A_631 = tpu.memref_slice %arg9[%dma_start3A_628, %dma_start3A_629, %dma_start3A_630] : memref<4x64x128xf32, #tpu.memory_space<vmem>> -> memref<1x64x128xf32, #tpu.memory_space<vmem>>
      %dma_start3A_632 = tpu.memref_squeeze %dma_start3A_631 : memref<1x64x128xf32, #tpu.memory_space<vmem>> -> memref<64x128xf32, #tpu.memory_space<vmem>>
      %dma_start3A_633 = arith.constant 0 : i32
      %dma_start3A_634 = tpu.memref_slice %arg5[%add3A_524, %dma_start3A_633] : memref<204800x128xf32, #tpu.memory_space<hbm>> -> memref<64x128xf32, #tpu.memory_space<hbm>>
      %dma_start3A_635 = arith.constant 0 : i32
      %dma_start3A_636 = tpu.memref_slice %arg5[%add3A_524, %dma_start3A_635] : memref<204800x128xf32, #tpu.memory_space<hbm>> -> memref<64x128xf32, #tpu.memory_space<hbm>>
      %dma_start3A_637 = arith.constant 0 : i32
      %dma_start3A_638 = arith.constant 0 : i32
      %dma_start3A_639 = tpu.memref_slice %arg9[%dma_start3A_628, %dma_start3A_637, %dma_start3A_638] : memref<4x64x128xf32, #tpu.memory_space<vmem>> -> memref<1x64x128xf32, #tpu.memory_space<vmem>>
      %dma_start3A_640 = tpu.memref_squeeze %dma_start3A_639 : memref<1x64x128xf32, #tpu.memory_space<vmem>> -> memref<64x128xf32, #tpu.memory_space<vmem>>
      tpu.enqueue_dma source(%dma_start3A_640 : memref<64x128xf32, #tpu.memory_space<vmem>>) target(%dma_start3A_636 : memref<64x128xf32, #tpu.memory_space<hbm>>) target_semaphore(%arg17 : memref<!tpu.dma_semaphore, #tpu.memory_space<semaphore_mem>>)
      %add3A_641 = arith.constant 4 : i32
      %add3A_642 = arith.addi %add3A_521, %add3A_641 : i32
      %lt3A_643 = arith.constant 100 : i32
      %lt3A_644 = arith.cmpi slt, %add3A_642, %lt3A_643 : i32
      %convert_element_type3A_645 = arith.extui %lt3A_644 : i1 to i32
      %cond3A_646 = arith.constant 0 : i32
      %cond3A_647 = arith.cmpi ne, %convert_element_type3A_645, %cond3A_646 : i32
      scf.if %cond3A_647 {
        %add3A_648 = arith.constant 4 : i32
        %add3A_649 = arith.addi %add3A_521, %add3A_648 : i32
        %dma_start3A_650 = arith.constant 3 : i32
        %dma_start3A_651 = arith.constant 0 : i32
        %dma_start3A_652 = arith.constant 0 : i32
        %dma_start3A_653 = tpu.memref_slice %arg8[%dma_start3A_650, %dma_start3A_651, %dma_start3A_652] : memref<4x64x128xf32, #tpu.memory_space<vmem>> -> memref<1x64x128xf32, #tpu.memory_space<vmem>>
        %dma_start3A_654 = tpu.memref_squeeze %dma_start3A_653 : memref<1x64x128xf32, #tpu.memory_space<vmem>> -> memref<64x128xf32, #tpu.memory_space<vmem>>
        %dma_start3A_655 = arith.constant 0 : i32
        %dma_start3A_656 = tpu.memref_slice %arg6[%add3A_649, %dma_start3A_655] : memref<100x64xi32, #tpu.memory_space<vmem>> -> memref<1x64xi32, #tpu.memory_space<vmem>>
        %dma_start3A_657 = tpu.memref_squeeze %dma_start3A_656 : memref<1x64xi32, #tpu.memory_space<vmem>> -> memref<64xi32, #tpu.memory_space<vmem>>
        %dma_start3A_658 = arith.constant 0 : i32
        %dma_start3A_659 = arith.constant 0 : i32
        %dma_start3A_660 = tpu.memref_slice %arg3[%dma_start3A_658, %dma_start3A_659] : memref<100000x128xf32, #tpu.memory_space<hbm>> -> memref<100000x128xf32, #tpu.memory_space<hbm>>
        tpu.enqueue_indirect_dma source(%dma_start3A_660 : memref<100000x128xf32, #tpu.memory_space<hbm>>) target(%dma_start3A_654 : memref<64x128xf32, #tpu.memory_space<vmem>>) offsets(%dma_start3A_657 : memref<64xi32, #tpu.memory_space<vmem>>) semaphore(%arg13 : memref<!tpu.dma_semaphore, #tpu.memory_space<semaphore_mem>>)
      } else {
      }
    }
    %scan3A_72 = arith.constant 25 : i32
    %dma_wait3A = arith.constant 0 : i32
    %dma_wait3A_73 = arith.constant 0 : i32
    %dma_wait3A_74 = arith.constant 0 : i32
    %dma_wait3A_75 = tpu.memref_slice %arg9[%dma_wait3A, %dma_wait3A_73, %dma_wait3A_74] : memref<4x64x128xf32, #tpu.memory_space<vmem>> -> memref<1x64x128xf32, #tpu.memory_space<vmem>>
    %dma_wait3A_76 = tpu.memref_squeeze %dma_wait3A_75 : memref<1x64x128xf32, #tpu.memory_space<vmem>> -> memref<64x128xf32, #tpu.memory_space<vmem>>
    %dma_wait3A_77 = arith.constant 0 : i32
    %dma_wait3A_78 = arith.constant 0 : i32
    %dma_wait3A_79 = tpu.memref_slice %arg5[%dma_wait3A_77, %dma_wait3A_78] : memref<204800x128xf32, #tpu.memory_space<hbm>> -> memref<64x128xf32, #tpu.memory_space<hbm>>
    %dma_wait3A_80 = arith.constant 0 : i32
    %dma_wait3A_81 = arith.constant 0 : i32
    %dma_wait3A_82 = tpu.memref_slice %arg5[%dma_wait3A_80, %dma_wait3A_81] : memref<204800x128xf32, #tpu.memory_space<hbm>> -> memref<64x128xf32, #tpu.memory_space<hbm>>
    %dma_wait3A_83 = arith.constant 0 : i32
    %dma_wait3A_84 = arith.constant 0 : i32
    %dma_wait3A_85 = tpu.memref_slice %arg9[%dma_wait3A, %dma_wait3A_83, %dma_wait3A_84] : memref<4x64x128xf32, #tpu.memory_space<vmem>> -> memref<1x64x128xf32, #tpu.memory_space<vmem>>
    %dma_wait3A_86 = tpu.memref_squeeze %dma_wait3A_85 : memref<1x64x128xf32, #tpu.memory_space<vmem>> -> memref<64x128xf32, #tpu.memory_space<vmem>>
    tpu.wait_dma2 semaphore(%arg14 : memref<!tpu.dma_semaphore, #tpu.memory_space<semaphore_mem>>) src(%dma_wait3A_86 : memref<64x128xf32, #tpu.memory_space<vmem>>) dst(%dma_wait3A_82 : memref<64x128xf32, #tpu.memory_space<hbm>>)
    %dma_wait3A_87 = arith.constant 1 : i32
    %dma_wait3A_88 = arith.constant 0 : i32
    %dma_wait3A_89 = arith.constant 0 : i32
    %dma_wait3A_90 = tpu.memref_slice %arg9[%dma_wait3A_87, %dma_wait3A_88, %dma_wait3A_89] : memref<4x64x128xf32, #tpu.memory_space<vmem>> -> memref<1x64x128xf32, #tpu.memory_space<vmem>>
    %dma_wait3A_91 = tpu.memref_squeeze %dma_wait3A_90 : memref<1x64x128xf32, #tpu.memory_space<vmem>> -> memref<64x128xf32, #tpu.memory_space<vmem>>
    %dma_wait3A_92 = arith.constant 0 : i32
    %dma_wait3A_93 = arith.constant 0 : i32
    %dma_wait3A_94 = tpu.memref_slice %arg5[%dma_wait3A_92, %dma_wait3A_93] : memref<204800x128xf32, #tpu.memory_space<hbm>> -> memref<64x128xf32, #tpu.memory_space<hbm>>
    %dma_wait3A_95 = arith.constant 0 : i32
    %dma_wait3A_96 = arith.constant 0 : i32
    %dma_wait3A_97 = tpu.memref_slice %arg5[%dma_wait3A_95, %dma_wait3A_96] : memref<204800x128xf32, #tpu.memory_space<hbm>> -> memref<64x128xf32, #tpu.memory_space<hbm>>
    %dma_wait3A_98 = arith.constant 0 : i32
    %dma_wait3A_99 = arith.constant 0 : i32
    %dma_wait3A_100 = tpu.memref_slice %arg9[%dma_wait3A_87, %dma_wait3A_98, %dma_wait3A_99] : memref<4x64x128xf32, #tpu.memory_space<vmem>> -> memref<1x64x128xf32, #tpu.memory_space<vmem>>
    %dma_wait3A_101 = tpu.memref_squeeze %dma_wait3A_100 : memref<1x64x128xf32, #tpu.memory_space<vmem>> -> memref<64x128xf32, #tpu.memory_space<vmem>>
    tpu.wait_dma2 semaphore(%arg15 : memref<!tpu.dma_semaphore, #tpu.memory_space<semaphore_mem>>) src(%dma_wait3A_101 : memref<64x128xf32, #tpu.memory_space<vmem>>) dst(%dma_wait3A_97 : memref<64x128xf32, #tpu.memory_space<hbm>>)
    %dma_wait3A_102 = arith.constant 2 : i32
    %dma_wait3A_103 = arith.constant 0 : i32
    %dma_wait3A_104 = arith.constant 0 : i32
    %dma_wait3A_105 = tpu.memref_slice %arg9[%dma_wait3A_102, %dma_wait3A_103, %dma_wait3A_104] : memref<4x64x128xf32, #tpu.memory_space<vmem>> -> memref<1x64x128xf32, #tpu.memory_space<vmem>>
    %dma_wait3A_106 = tpu.memref_squeeze %dma_wait3A_105 : memref<1x64x128xf32, #tpu.memory_space<vmem>> -> memref<64x128xf32, #tpu.memory_space<vmem>>
    %dma_wait3A_107 = arith.constant 0 : i32
    %dma_wait3A_108 = arith.constant 0 : i32
    %dma_wait3A_109 = tpu.memref_slice %arg5[%dma_wait3A_107, %dma_wait3A_108] : memref<204800x128xf32, #tpu.memory_space<hbm>> -> memref<64x128xf32, #tpu.memory_space<hbm>>
    %dma_wait3A_110 = arith.constant 0 : i32
    %dma_wait3A_111 = arith.constant 0 : i32
    %dma_wait3A_112 = tpu.memref_slice %arg5[%dma_wait3A_110, %dma_wait3A_111] : memref<204800x128xf32, #tpu.memory_space<hbm>> -> memref<64x128xf32, #tpu.memory_space<hbm>>
    %dma_wait3A_113 = arith.constant 0 : i32
    %dma_wait3A_114 = arith.constant 0 : i32
    %dma_wait3A_115 = tpu.memref_slice %arg9[%dma_wait3A_102, %dma_wait3A_113, %dma_wait3A_114] : memref<4x64x128xf32, #tpu.memory_space<vmem>> -> memref<1x64x128xf32, #tpu.memory_space<vmem>>
    %dma_wait3A_116 = tpu.memref_squeeze %dma_wait3A_115 : memref<1x64x128xf32, #tpu.memory_space<vmem>> -> memref<64x128xf32, #tpu.memory_space<vmem>>
    tpu.wait_dma2 semaphore(%arg16 : memref<!tpu.dma_semaphore, #tpu.memory_space<semaphore_mem>>) src(%dma_wait3A_116 : memref<64x128xf32, #tpu.memory_space<vmem>>) dst(%dma_wait3A_112 : memref<64x128xf32, #tpu.memory_space<hbm>>)
    %dma_wait3A_117 = arith.constant 3 : i32
    %dma_wait3A_118 = arith.constant 0 : i32
    %dma_wait3A_119 = arith.constant 0 : i32
    %dma_wait3A_120 = tpu.memref_slice %arg9[%dma_wait3A_117, %dma_wait3A_118, %dma_wait3A_119] : memref<4x64x128xf32, #tpu.memory_space<vmem>> -> memref<1x64x128xf32, #tpu.memory_space<vmem>>
    %dma_wait3A_121 = tpu.memref_squeeze %dma_wait3A_120 : memref<1x64x128xf32, #tpu.memory_space<vmem>> -> memref<64x128xf32, #tpu.memory_space<vmem>>
    %dma_wait3A_122 = arith.constant 0 : i32
    %dma_wait3A_123 = arith.constant 0 : i32
    %dma_wait3A_124 = tpu.memref_slice %arg5[%dma_wait3A_122, %dma_wait3A_123] : memref<204800x128xf32, #tpu.memory_space<hbm>> -> memref<64x128xf32, #tpu.memory_space<hbm>>
    %dma_wait3A_125 = arith.constant 0 : i32
    %dma_wait3A_126 = arith.constant 0 : i32
    %dma_wait3A_127 = tpu.memref_slice %arg5[%dma_wait3A_125, %dma_wait3A_126] : memref<204800x128xf32, #tpu.memory_space<hbm>> -> memref<64x128xf32, #tpu.memory_space<hbm>>
    %dma_wait3A_128 = arith.constant 0 : i32
    %dma_wait3A_129 = arith.constant 0 : i32
    %dma_wait3A_130 = tpu.memref_slice %arg9[%dma_wait3A_117, %dma_wait3A_128, %dma_wait3A_129] : memref<4x64x128xf32, #tpu.memory_space<vmem>> -> memref<1x64x128xf32, #tpu.memory_space<vmem>>
    %dma_wait3A_131 = tpu.memref_squeeze %dma_wait3A_130 : memref<1x64x128xf32, #tpu.memory_space<vmem>> -> memref<64x128xf32, #tpu.memory_space<vmem>>
    tpu.wait_dma2 semaphore(%arg17 : memref<!tpu.dma_semaphore, #tpu.memory_space<semaphore_mem>>) src(%dma_wait3A_131 : memref<64x128xf32, #tpu.memory_space<vmem>>) dst(%dma_wait3A_127 : memref<64x128xf32, #tpu.memory_space<hbm>>)
    return
  }
}

</mosaic_0001>

<sc_bundles>
// kernel: kernel.3.cloned.1.call-start
scs
__scs_entry_jumppad:
0x0: {  	(pc) =	sbr.rel $0x88, $3  }
0x1: {  	(tag) =	ssettag $0x0;
	lr =	simm.s32 $0x1  }
0x2: {  	[smem:$0x3F9E] =	sst lr;
	_ =	strace $0xD0000000  }
0x3: {  	_ = 	snop  }
0x4: {  	_ = 	snop  }
0x5: {  	_ = 	snop  }
0x6: {  	_ = 	snop  }
0x7: {  	_ = 	snop  }
__scs_overlays_trampoline_lowered:
0x8: {  	[smem:$0x3FAD] =	sst s0  }
0x9: {  	[smem:$0x3FAE] =	sst s1  }
0xa: {  	[smem:$0x3FAF] =	sst s2  }
0xb: {  	[smem:$0x3FB0] =	sst s3  }
0xc: {  	[smem:$0x3FB1] =	sst s4  }
0xd: {  	[smem:$0x3FB2] =	sst s5  }
0xe: {  	[smem:$0x3FB3] =	sst s6  }
0xf: {  	[smem:$0x3FB4] =	sst s7  }
0x10: {  	[smem:$0x3FB5] =	sst s8  }
0x11: {  	[smem:$0x3FB6] =	sst s9;
	s0 =	simm.s32 @!p0 $0x0  }
0x12: {  	s1 =	sld [smem:$0x3F9C];
	s0 =	simm.s32 @p0 $0x1  }
0x13: {  	[smem:$0x3FB7] =	sst s0;
	s0 =	simm.s32 @!p1 $0x0  }
0x14: {  	s2 =	sld [smem:$0x3F9B];
	s0 =	simm.s32 @p1 $0x1  }
0x15: {  	[smem:$0x3FB8] =	sst s0;
	s0 =	simm.s32 @!p2 $0x0  }
0x16: {  	s3 =	sld [smem:$0x3FDB];
	s0 =	simm.s32 @p2 $0x1  }
0x17: {  	s4 =	simm.s32 $0x1BF5;
	[smem:$0x3FBA] =	sst s0  }
0x18: {  	s0 =	sld [smem:$0x3F9D];
	_ =	swait.ge [sflag:s4], $0x0  }
0x19: {  	s7 =	sld [smem:$0x3F9E]  }
0x1a: {  	s8 =	sadd.s32 $0xFFFFE003, lr  }
0x1b: {  	s9 =	sadd.s32 $0xFFFFFEF7, lr;
	s5 =	simm.s32 $0xFFFFFFFF;
	p2 =	slt.u32 s8, $0xFFFFF086  }
0x1c: {  	p1 =	slt.u32 s9, $0xF7A;
	s5 =	simm.s32 @!p2 $0x0  }
0x1d: {  	s5 =	simm.s32 @p1 $0x1;
	p0 =	seq.s32 s7, s2  }
0x1e: {  	s7 =	smul.u32 @!p0 $0xF7A, s2;
	p2 =	seq.s32 @!p0 s5, $0x0  }
0x1f: {  	s9 =	smul.u32 $0xF7A, s1;
	s8 =	simm.s32 @!p0 $0x1BF5;
	p2 =	por !p2, p0  }
0x20: {  	[sflag:s8] =	ssyncset.s32 @!p0 $0xFFFFF086;
	s6 =	sadd.s32 @!p0 s3, s7;
	s7 =	simm.s32 @!p0 $0x108  }
0x21: {  	s3 =	sadd.s32 s3, s9;
	s6 =	sadd.s32 @!p0 $0x88, s6;
	s7 =	simm.s32 @p2 $0x1082  }
0x22: {  	[simem:s7], [sflag:s8] =	dma.local @!p0 [hbm:s6], $0xF7A  }
0x23: {  	s9 =	sor.u32 $0xD0000000, s2;
	s6 =	simm.s32 $0x108;
	_ =	swait.ge @!p0 [sflag:s8], $0x0  }
0x24: {  	s3 =	sadd.s32 $0x88, s3;
	s6 =	simm.s32 @!p1 $0x1082;
	[sflag:s4] =	ssyncset.s32 $0xFFFFF086  }
0x25: {  	[simem:s6], [sflag:s4] =	dma.local [hbm:s3], $0xF7A  }
0x26: {  	[smem:$0x3F9E] =	sst s1;
	(tag) =	ssettag s2;
	_ =	strace s9  }
0x27: {  	s1 =	sld [smem:$0x3FAE]  }
0x28: {  	s2 =	sld [smem:$0x3FAF]  }
0x29: {  	s4 =	sld [smem:$0x3FB1]  }
0x2a: {  	p0 =	seq.s32 s5, $0x0;
	s5 =	sld [smem:$0x3FB2]  }
0x2b: {  	s6 =	sld [smem:$0x3FB3]  }
0x2c: {  	s7 =	sld [smem:$0x3FB4]  }
0x2d: {  	s3 =	simm.s32 $0x108;
	s8 =	sld [smem:$0x3FB5]  }
0x2e: {  	s3 =	simm.s32 @!p0 $0x1082;
	s9 =	sld [smem:$0x3FB6]  }
0x2f: {  	lr =	sadd.s32 s0, s3;
	s0 =	sld [smem:$0x3FAD]  }
0x30: {  	s3 =	sld [smem:$0x3FB0]  }
0x31: {  	[smem:$0x3FB9] =	sst s10  }
0x32: {  	s10 =	sld [smem:$0x3FB7];
	_ =	sdelay $0x3  }
0x33: {  	p0 =	seq.s32 s10, $0x1;
	s10 =	sld [smem:$0x3FB9];
	_ =	sdelay $0x3  }
0x34: {  	[smem:$0x3FB9] =	sst s10  }
0x35: {  	s10 =	sld [smem:$0x3FB8];
	_ =	sdelay $0x3  }
0x36: {  	p1 =	seq.s32 s10, $0x1;
	s10 =	sld [smem:$0x3FB9];
	_ =	sdelay $0x3  }
0x37: {  	[smem:$0x3FB9] =	sst s10  }
0x38: {  	s10 =	sld [smem:$0x3FBA]  }
0x39: {  	_ = 	snop;
	(pc) =	sbr.ind lr, $3  }
0x3a: {  	_ = 	snop  }
0x3b: {  	_ = 	snop  }
0x3c: {  	p2 =	seq.s32 s10, $0x1;
	s10 =	sld [smem:$0x3FB9]  }
0x3d: {  	_ =	shalt  }
0x3e: {  	_ =	shalt  }
0x3f: {  	_ =	shalt  }
0x40: {  	_ =	shalt  }
0x41: {  	_ =	shalt  }
0x42: {  	_ =	shalt  }
0x43: {  	_ =	shalt  }
0x44: {  	_ =	shalt  }
0x45: {  	_ =	shalt  }
0x46: {  	_ =	shalt  }
0x47: {  	_ =	shalt  }
0x48: {  	_ =	shalt  }
0x49: {  	_ =	shalt  }
0x4a: {  	_ =	shalt  }
0x4b: {  	_ =	shalt  }
0x4c: {  	_ =	shalt  }
0x4d: {  	_ =	shalt  }
0x4e: {  	_ =	shalt  }
0x4f: {  	_ =	shalt  }
0x50: {  	_ =	shalt  }
0x51: {  	_ =	shalt  }
0x52: {  	_ =	shalt  }
0x53: {  	_ =	shalt  }
0x54: {  	_ =	shalt  }
0x55: {  	_ =	shalt  }
0x56: {  	_ =	shalt  }
0x57: {  	_ =	shalt  }
0x58: {  	_ =	shalt  }
0x59: {  	_ =	shalt  }
0x5a: {  	_ =	shalt  }
0x5b: {  	_ =	shalt  }
0x5c: {  	_ =	shalt  }
0x5d: {  	_ =	shalt  }
0x5e: {  	_ =	shalt  }
0x5f: {  	_ =	shalt  }
0x60: {  	_ =	shalt  }
0x61: {  	_ =	shalt  }
0x62: {  	_ =	shalt  }
0x63: {  	_ =	shalt  }
0x64: {  	_ =	shalt  }
0x65: {  	_ =	shalt  }
0x66: {  	_ =	shalt  }
0x67: {  	_ =	shalt  }
0x68: {  	_ =	shalt  }
0x69: {  	_ =	shalt  }
0x6a: {  	_ =	shalt  }
0x6b: {  	_ =	shalt  }
0x6c: {  	_ =	shalt  }
0x6d: {  	_ =	shalt  }
0x6e: {  	_ =	shalt  }
0x6f: {  	_ =	shalt  }
0x70: {  	_ =	shalt  }
0x71: {  	_ =	shalt  }
0x72: {  	_ =	shalt  }
0x73: {  	_ =	shalt  }
0x74: {  	_ =	shalt  }
0x75: {  	_ =	shalt  }
0x76: {  	_ =	shalt  }
0x77: {  	_ =	shalt  }
0x78: {  	_ =	shalt  }
0x79: {  	_ =	shalt  }
0x7a: {  	_ =	shalt  }
0x7b: {  	_ =	shalt  }
0x7c: {  	_ =	shalt  }
0x7d: {  	_ =	shalt  }
0x7e: {  	_ =	shalt  }
0x7f: {  	_ =	shalt  }
0x80: {  	_ =	shalt  }
0x81: {  	_ =	shalt  }
0x82: {  	_ =	shalt  }
0x83: {  	_ =	shalt  }
0x84: {  	_ =	shalt  }
0x85: {  	_ =	shalt  }
0x86: {  	_ =	shalt  }
0x87: {  	_ =	shalt  }
.Lfunc_end0:
.L_simem_size_0:
called_computation_lowered:
.L_overlay_start_0:
0x88: {  	s2 =	sld [smem:$0x3FD9]  }
0x89: {  	s3 =	sld [smem:$0x3FFE];
	_ =	sdelay $0x1  }
0x8a: {  	s1 =	srdreg.scid  }
0x8b: {  	s0 =	sand.u32 $0x1, s1  }
0x8c: {  	s17 =	sshll.u32 s0, $0xA;
	s2 =	sadd.s32 s3, s2  }
0x8d: {  	s2 =	sadd.s32 s2, s17  }
0x8e: {  	[smem:$0x3FC5] =	sst s2  }
0x8f: {  	_ = 	snop  }
0x90: {  	s2 =	sld [smem:$0x3FC8]  }
0x91: {  	s18 =	sld [smem:$0x3FC7]  }
0x92: {  	s4 =	sld [smem:$0x3FD0];
	(tm) =	ssettm $0x1  }
0x93: {  	s5 =	sld [smem:$0x3FFB];
	_ =	sdelay $0x3  }
0x94: {  	_ =	strace s5  }
0x95: {  	s5 =	sld [smem:$0x3FFC];
	_ =	sdelay $0x3  }
0x96: {  	_ =	strace s5  }
0x97: {  	s5 =	sld [smem:$0x3FFD];
	_ =	sdelay $0x3  }
0x98: {  	_ =	strace s5  }
0x99: {  	_ =	strace $0x8FFFFFFF  }
0x9a: {  	s19 =	sld [smem:$0x3FDB];
	_ =	sdelay $0x1  }
0x9b: {  	s6 =	simm.s32 $_scs_section_size  }
0x9c: {  	s7 =	simm.s32 $_size__tile_overlayer_lowered;
	s8 =	simm.s32 $_tile_overlayer_lowered  }
0x9d: {  	s22 =	simm.s32 $0x1BFF;
	s21 =	sshll.u32 s8, $0x1;
	s5 =	sadd.s32 s6, s19  }
0x9e: {  	s9 =	simm.s32 $0x0;
	s20 =	sshll.u32 s7, $0x1;
	s7 =	sadd.s32 s21, s5  }
0x9f: {  	[timem:s9], [sflag:s22] =	dma.local [hbm:s7], s20  }
0xa0: {  	_ =	swait.ge [sflag:s22], s20  }
0xa1: {  	s6 =	ssub.s32 $0x0, s20;
	[sflag:s22] =	ssyncset.done $0x0  }
0xa2: {  	[sflag:s22] =	ssyncadd.s32 s6;
	_ =	sdelay $0x1  }
0xa3: {  	s23 =	simm.s32 $0x1B8B  }
0xa4: {  	_ =	swait.ge [sflag:s23], $0x1  }
0xa5: {  	[sflag:s23] =	ssyncset.done $0x0  }
0xa6: {  	s25 =	simm.s32 $0x1B8E;
	s24 =	sld [smem:$0x3FFE];
	[sflag:s23] =	ssyncadd.s32 $0xFFFFFFFF  }
0xa7: {  	s26 =	simm.s32 $execute0_lowered;
	[smem:$0x3FD2] =	sst s25  }
0xa8: {  	s7 =	sshll.u32 s26, $0x1;
	_ =	strace $0x80000046;
	[dreg:$0x1] =	wrdreg $0xFFFFFFFF  }
0xa9: {  	s28 =	simm.s32 $_size_execute0_lowered;
	s5 =	sadd.s32 s5, s7;
	[dreg:$0x0] =	wrdreg $0x0  }
0xaa: {  	s7 =	sshll.u32 s28, $0x1;
	[dreg:$0x2] =	wrdreg s5  }
0xab: {  	[dreg:$0x3] =	wrdreg s7  }
0xac: {  	[dreg:$0x4] =	wrdreg $0xC0  }
0xad: {  	_ =	task [dreg:s9], $0x5FFFF  }
0xae: {  	[dreg:$0x1] =	wrdreg $0xFFFFFFFF  }
0xaf: {  	[dreg:$0x0] =	wrdreg $0x60  }
0xb0: {  	[dreg:$0x2] =	wrdreg s24  }
0xb1: {  	[dreg:$0x3] =	wrdreg s2  }
0xb2: {  	[dreg:$0x4] =	wrdreg s18  }
0xb3: {  	[dreg:$0x5] =	wrdreg s4  }
0xb4: {  	[dreg:$0x6] =	wrdreg $0x9  }
0xb5: {  	_ =	task.clear_ibuf [dreg:s9], $0x7FFFF;
	_ =	strace $0x90000046  }
0xb6: {  	s29 =	simm.s32 $0x9;
	_ =	strace $0x80000048  }
0xb7: {  	_ =	swait.ge [sflag:s29], $0x1  }
0xb8: {  	[sflag:s29] =	ssyncadd.s32 $0xFFFFFFFF  }
0xb9: {  	_ =	strace $0x90000048  }
0xba: {  	_ =	sfence  }
0xbb: {  	s30 =	sld [smem:$0x0];
	_ =	sdelay $0x2  }
0xbc: {  	s31 =	sshll.u32 s1, $0xD;
	s1 =	sshrl.u32 s1, $0x2  }
0xbd: {  	s3 =	sand.u32 $0x4000, s31;
	s1 =	sadd.s32 s1, s30  }
0xbe: {  	s0 =	sor.u32 s3, s0;
	s1 =	sshll.u32 s1, $0x11  }
0xbf: {  	s0 =	sor.u32 s1, s0  }
0xc0: {  	s0 =	sadd.s32 $0x8F2B, s0  }
0xc1: {  	[sflag:s0] =	ssyncadd.remote.s32 $0x1  }
0xc2: {  	_ =	sfence.sel $0xFFFF  }
0xc3: {  	[dreg:$0x0] =	wrdreg $0xFFFFFFFF;
	(pc) =	sbr.abs _section_cstart, $3  }
0xc4: {  	[dreg:$0x1] =	wrdreg $0xFFFFFFFF  }
0xc5: {  	_ =	task.clear_ibuf [dreg:s9], $0x2FFFF;
	_ =	strace $0x9FFFFFFF  }
0xc6: {  	(tm) =	ssettm $0x7FFFFFFF  }
0xc7: {  	_ =	shalt  }
tec
execute0_lowered:
.L_overlay_start_1:
0x0: {  	(tag) =	ssettag $0x1  }
0x1: {  	s0 =	rddreg [dreg:$0x0]  }
0x2: {  	s1 =	rddreg [dreg:$0x1];
	s2 =	srdreg.scid  }
0x3: {  	s3 =	stileid.u32;
	s7 =	rddreg [dreg:$0x2]  }
0x4: {  	s11 =	simm.s32 $0x9;
	s12 =	simm.s32 $0x40;
	s19 =	simm.s32 $0x9800  }
0x5: {  	s22 =	simm.s32 $0x1;
	s23 =	simm.s32 $0xB800;
	s24 =	simm.s32 $0x2  }
0x6: {  	s28 =	simm.s32 $0xF800;
	s29 =	simm.s32 $0x4;
	s30 =	simm.s32 $0x11800  }
0x7: {  	s31 =	simm.s32 $0x5;
	s2 =	sand.u32 $0x1, s2;
	s4 =	sshll.u32 s3, $0x1  }
0x8: {  	s13 =	simm.s32 $0x8;
	s14 =	simm.s32 $0x0;
	s5 =	sor.u32 s2, s4  }
0x9: {  	s3 =	rddreg [dreg:$0x3];
	s4 =	simm.s32 $0x0;
	s6 =	smul.u32 $0x3400, s5  }
0xa: {  	s2 =	ssub.s32 $0x2, s2;
	[smem:$0x7FF] =	sst s4;
	s5 =	smul.u32 $0x1900, s5  }
0xb: {  	s8 =	sshrl.u32 s2, $0x1;
	_ =	strace $0x80000047;
	s6 =	sshrl.u32 s6, $0x3  }
.Ltmp0:
0xc: {  	s2 =	ssub.s32 s2, s8;
	s0 =	sadd.s32 s6, s0;
	(pc) =	sbr.rel .LBB2_1-.Ltmp0, $4  }
0xd: {  	s10 =	smax.u32 s2, $0x1;
	s6 =	sshrl.u32 s5, $0xA;
	s25 =	sadd.s32 $0x400, s0  }
0xe: {  	s26 =	sshll.u32 s6, $0x4;
	s0 =	sadd.s32 $0x480, s0;
	[dreg:$0x5] =	wrdreg s25  }
0xf: {  	s2 =	simm.s32 $0x6;
	[dreg:$0x6] =	wrdreg s0;
	s9 =	sadd.s32 s7, s26  }
0x10: {  	s25 =	simm.s32 $0xD800;
	s26 =	simm.s32 $0x3;
	s0 =	simm.s32 $0x7  }
.LBB2_12:
0x11: {  	_ =	swait.ge [sflag:s31], $0x2000  }
0x12: {  	[sflag:s31] =	ssyncset.done $0x0  }
0x13: {  	[sflag:s31] =	ssyncadd.s32 $0xFFFFE000  }
0x14: {  	_ =	swait.ge [sflag:s2], $0x2000  }
0x15: {  	[sflag:s2] =	ssyncset.done $0x0  }
0x16: {  	s14 =	sadd.s32 $0x1, s14;
	[sflag:s2] =	ssyncadd.s32 $0xFFFFE000  }
0x17: {  	p0 =	sne.s32 s14, s10;
	_ =	swait.ge [sflag:s0], $0x2000  }
.Ltmp1:
0x18: {  	[sflag:s0] =	ssyncset.done $0x0;
	(pc) =	sbr.rel @!p0 .LBB2_13-.Ltmp1, $4  }
0x19: {  	[sflag:s0] =	ssyncadd.s32 $0xFFFFE000  }
0x1a: {  	_ =	swait.ge [sflag:s13], $0x2000  }
0x1b: {  	[sflag:s13] =	ssyncset.done $0x0  }
0x1c: {  	[sflag:s13] =	ssyncadd.s32 $0xFFFFE000  }
.LBB2_1:
0x1d: {  	s7 =	rddreg [dreg:$0x5]  }
0x1e: {  	[tilespmem:s4], [sflag:$0x9] =	stream.linear.gather [hbm4b:s7+s4], $0x400, $0x38;
	[tilespmem:$0x13800] =	vst v63  }
0x1f: {  	_ =	swait.ge [sflag:s11], $0x400  }
0x20: {  	[sflag:s11] =	ssyncset.done $0x0  }
0x21: {  	s20 =	simm.s32 $0x3800;
	[sflag:s11] =	ssyncadd.s32 $0xFFFFFC00  }
0x22: {  	[tilespmem:s20], [sflag:$0x1] =	stream.indirect.gather [hbm4b:s1+s12], $0x80, s4, s12, $0xb8;
	[tilespmem:$0x13800] =	vst v63  }
0x23: {  	s21 =	simm.s32 $0x80;
	s8 =	simm.s32 $0x5800  }
0x24: {  	[tilespmem:s8], [sflag:$0x2] =	stream.indirect.gather [hbm4b:s1+s12], $0x80, s21, s12, $0xb8;
	[tilespmem:$0x13800] =	vst v63  }
0x25: {  	s15 =	simm.s32 $0x100;
	s16 =	simm.s32 $0x7800  }
0x26: {  	[tilespmem:s16], [sflag:$0x3] =	stream.indirect.gather [hbm4b:s1+s12], $0x80, s15, s12, $0xb8;
	[tilespmem:$0x13800] =	vst v63  }
0x27: {  	s17 =	simm.s32 $0x180  }
0x28: {  	[tilespmem:s19], [sflag:$0x4] =	stream.indirect.gather [hbm4b:s1+s12], $0x80, s17, s12, $0xb8;
	[tilespmem:$0x13800] =	vst v63  }
0x29: {  	s18 =	rddreg [dreg:$0x6];
	s20 =	simm.s32 $0x400  }
0x2a: {  	[tilespmem:s20], [sflag:$0x9] =	stream.linear.gather [hbm4b:s18+s4], $0x2E00, $0x38;
	[tilespmem:$0x13800] =	vst v63  }
0x2b: {  	_ =	swait.ge [sflag:s11], $0x2E00  }
0x2c: {  	[sflag:s11] =	ssyncset.done $0x0  }
0x2d: {  	s21 =	simm.s32 $0x3400;
	[sflag:s11] =	ssyncadd.s32 $0xFFFFD200  }
0x2e: {  	[tilespmem:s21], [sflag:$0x9] =	stream.linear.gather [hbm4b:s9+s4], $0x400, $0x38;
	[tilespmem:$0x13800] =	vst v63  }
0x2f: {  	_ =	swait.ge [sflag:s11], $0x400  }
0x30: {  	[sflag:s11] =	ssyncset.done $0x0  }
0x31: {  	s15 =	simm.s32 $0x0;
	[sflag:s11] =	ssyncadd.s32 $0xFFFFFC00  }
.LBB2_2:
0x32: {  	s18 =	sshll.u32 s15, $0x8;
	_ =	swait.ge [sflag:s22], $0x2000  }
0x33: {  	p0 =	seq.s32 s15, $0x0;
	s17 =	sadd.s32 s5, s18;
	[sflag:s22] =	ssyncset.done $0x0  }
0x34: {  	s7 =	simm.s32 @!p0 $0x5;
	[sflag:s22] =	ssyncadd.s32 $0xFFFFE000;
	s8 =	sshrl.u32 s17, $0xA  }
0x35: {  	_ =	swait.ge @!p0 [sflag:s7], $0x2000;
	s8 =	ssub.s32 s8, s6  }
0x36: {  	[sflag:s7] =	ssyncset.done @!p0 $0x0;
	s8 =	sshll.u32 s8, $0x9  }
0x37: {  	[sflag:s7] =	ssyncadd.s32 @!p0 $0xFFFFE000;
	s21 =	sshra.s32 s8, $0x2  }
0x38: {  	v6 =	vld [tilespmem:s21+$0x3400]  }
0x39: {  	v5 =	vld [tilespmem:s21+$0x3410]  }
0x3a: {  	v4 =	vld [tilespmem:s21+$0x3420]  }
0x3b: {  	v3 =	vld [tilespmem:s21+$0x3430]  }
0x3c: {  	v2 =	vld [tilespmem:s21+$0x3440]  }
0x3d: {  	v1 =	vld [tilespmem:s21+$0x3450]  }
0x3e: {  	v0 =	vld [tilespmem:s21+$0x3460]  }
0x3f: {  	v7 =	vld [tilespmem:s21+$0x3470];
	s21 =	simm.s32 $0x0  }
0x40: {  	v9 =	vld [tilespmem:s21+$0x3870]  }
0x41: {  	v13 =	vld [tilespmem:s21+$0x3800]  }
0x42: {  	v14 =	vld [tilespmem:s21+$0x3810]  }
0x43: {  	v12 =	vld [tilespmem:s21+$0x3820]  }
0x44: {  	v11 =	vld [tilespmem:s21+$0x3830]  }
0x45: {  	v8 =	vld [tilespmem:s21+$0x3840];
	v15 =	vadd.f32 v9, v7  }
0x46: {  	v9 =	vld [tilespmem:s21+$0x3850];
	v13 =	vadd.f32 v13, v6  }
0x47: {  	s16 =	sshll.u32 s15, $0xB;
	s20 =	simm.s32 $0x80;
	s7 =	simm.s32 $0x400;
	v10 =	vld [tilespmem:s21+$0x3860];
	v14 =	vadd.f32 v14, v5;
	[tilespmem:s21+$0xB870] =	vst v15  }
.LBB2_3:
0x48: {  	p1 =	sne.s32 s7, $0x7E00;
	v15 =	vld [tilespmem:s20+$0x3870];
	[tilespmem:s21+$0xB800] =	vst v13;
	v12 =	vadd.f32 v12, v4  }
0x49: {  	v13 =	vld [tilespmem:s20+$0x3800];
	[tilespmem:s21+$0xB810] =	vst v14;
	v11 =	vadd.f32 v11, v3  }
0x4a: {  	v14 =	vld [tilespmem:s20+$0x3810];
	[tilespmem:s21+$0xB820] =	vst v12;
	v8 =	vadd.f32 v8, v2  }
.Ltmp2:
0x4b: {  	v12 =	vld [tilespmem:s20+$0x3820];
	[tilespmem:s21+$0xB830] =	vst v11;
	v9 =	vadd.f32 v9, v1;
	(pc) =	sbr.rel @p1 .LBB2_3-.Ltmp2, $4  }
0x4c: {  	v11 =	vld [tilespmem:s20+$0x3830];
	[tilespmem:s21+$0xB840] =	vst v8;
	v10 =	vadd.f32 v10, v0  }
0x4d: {  	v8 =	vld [tilespmem:s20+$0x3840];
	v15 =	vadd.f32 v15, v7;
	[tilespmem:s21+$0xB850] =	vst v9  }
0x4e: {  	v13 =	vadd.f32 v13, v6;
	v9 =	vld [tilespmem:s20+$0x3850];
	[tilespmem:s21+$0xB860] =	vst v10;
	s21 =	smov.u32 s20  }
0x4f: {  	s20 =	sshra.s32 s7, $0x2;
	s7 =	sadd.s32 $0x200, s7;
	v14 =	vadd.f32 v14, v5;
	v10 =	vld [tilespmem:s21+$0x3860];
	[tilespmem:s21+$0xB870] =	vst v15  }
0x50: {  	v15 =	vld [tilespmem:s20+$0x3870];
	[tilespmem:s21+$0xB800] =	vst v13;
	v12 =	vadd.f32 v12, v4  }
0x51: {  	v13 =	vld [tilespmem:s20+$0x3800];
	[tilespmem:s21+$0xB810] =	vst v14;
	v11 =	vadd.f32 v11, v3  }
0x52: {  	v14 =	vld [tilespmem:s20+$0x3810];
	[tilespmem:s21+$0xB820] =	vst v12;
	v8 =	vadd.f32 v8, v2  }
0x53: {  	v12 =	vld [tilespmem:s20+$0x3820];
	[tilespmem:s21+$0xB830] =	vst v11;
	v9 =	vadd.f32 v9, v1  }
0x54: {  	v11 =	vld [tilespmem:s20+$0x3830];
	[tilespmem:s21+$0xB840] =	vst v8;
	v10 =	vadd.f32 v10, v0  }
0x55: {  	v8 =	vld [tilespmem:s20+$0x3840];
	[tilespmem:s21+$0xB850] =	vst v9;
	v7 =	vadd.f32 v15, v7  }
0x56: {  	v9 =	vld [tilespmem:s20+$0x3850];
	[tilespmem:s21+$0xB860] =	vst v10;
	v6 =	vadd.f32 v13, v6  }
0x57: {  	v10 =	vld [tilespmem:s20+$0x3860];
	v5 =	vadd.f32 v14, v5;
	[tilespmem:s20+$0xB870] =	vst v7  }
0x58: {  	[tilespmem:s20+$0xB800] =	vst v6;
	v4 =	vadd.f32 v12, v4  }
0x59: {  	[tilespmem:s20+$0xB810] =	vst v5;
	v3 =	vadd.f32 v11, v3  }
0x5a: {  	[tilespmem:s20+$0xB820] =	vst v4;
	v2 =	vadd.f32 v8, v2  }
0x5b: {  	[tilespmem:s20+$0xB830] =	vst v3;
	v1 =	vadd.f32 v9, v1  }
0x5c: {  	[tilespmem:s20+$0xB840] =	vst v2;
	v0 =	vadd.f32 v10, v0  }
0x5d: {  	s7 =	sshll.u32 s17, $0x4;
	p1 =	seq.s32 s15, $0x18;
	[tilespmem:s20+$0xB850] =	vst v1  }
0x5e: {  	s7 =	sadd.s32 s3, s7;
	s17 =	sshrl.u32 @!p1 s16, $0x2;
	[tilespmem:s20+$0xB860] =	vst v0  }
0x5f: {  	[hbm4b:s7+s4] =	stream.linear.scatter [tilespmem:s23], [sflag:$0x5], $0x2000, $0x38;
	[tilespmem:$0x13800] =	vst v63  }
0x60: {  	s8 =	simm.s32 @!p1 $0x40;
	s20 =	simm.s32 @!p1 $0x3800;
	s7 =	sadd.s32 @!p1 $0x200, s17  }
0x61: {  	[tilespmem:s20], [sflag:$0x1] =	stream.indirect.gather @!p1 [hbm4b:s1+s8], $0x80, s7, s8, $0xb8;
	[tilespmem:$0x13800] =	vst v63  }
0x62: {  	s18 =	sadd.s32 s18, s5;
	_ =	swait.ge [sflag:s24], $0x2000  }
0x63: {  	s20 =	sadd.s32 $0x40, s18;
	[sflag:s24] =	ssyncset.done $0x0  }
0x64: {  	s7 =	simm.s32 @!p0 $0x6;
	s21 =	sshrl.u32 s20, $0xA;
	[sflag:s24] =	ssyncadd.s32 $0xFFFFE000  }
0x65: {  	s8 =	ssub.s32 s21, s6;
	_ =	swait.ge @!p0 [sflag:s7], $0x2000  }
0x66: {  	s8 =	sshll.u32 s8, $0x9;
	[sflag:s7] =	ssyncset.done @!p0 $0x0  }
0x67: {  	s21 =	sshra.s32 s8, $0x2;
	[sflag:s7] =	ssyncadd.s32 @!p0 $0xFFFFE000  }
0x68: {  	v6 =	vld [tilespmem:s21+$0x3400]  }
0x69: {  	v5 =	vld [tilespmem:s21+$0x3410]  }
0x6a: {  	v4 =	vld [tilespmem:s21+$0x3420]  }
0x6b: {  	v3 =	vld [tilespmem:s21+$0x3430]  }
0x6c: {  	v2 =	vld [tilespmem:s21+$0x3440]  }
0x6d: {  	v1 =	vld [tilespmem:s21+$0x3450]  }
0x6e: {  	v0 =	vld [tilespmem:s21+$0x3460]  }
0x6f: {  	s7 =	simm.s32 $0x0;
	v7 =	vld [tilespmem:s21+$0x3470]  }
0x70: {  	v9 =	vld [tilespmem:s7+$0x5870]  }
0x71: {  	v13 =	vld [tilespmem:s7+$0x5800]  }
0x72: {  	v14 =	vld [tilespmem:s7+$0x5810]  }
0x73: {  	v12 =	vld [tilespmem:s7+$0x5820]  }
0x74: {  	v11 =	vld [tilespmem:s7+$0x5830]  }
0x75: {  	v8 =	vld [tilespmem:s7+$0x5840];
	v15 =	vadd.f32 v9, v7  }
0x76: {  	v9 =	vld [tilespmem:s7+$0x5850];
	v13 =	vadd.f32 v13, v6  }
0x77: {  	s8 =	simm.s32 $0x400;
	v10 =	vld [tilespmem:s7+$0x5860];
	s21 =	simm.s32 $0x80;
	v14 =	vadd.f32 v14, v5;
	[tilespmem:s7+$0xD870] =	vst v15  }
.LBB2_5:
0x78: {  	p2 =	sne.s32 s8, $0x7E00;
	v15 =	vld [tilespmem:s21+$0x5870];
	[tilespmem:s7+$0xD800] =	vst v13;
	v12 =	vadd.f32 v12, v4  }
0x79: {  	v13 =	vld [tilespmem:s21+$0x5800];
	[tilespmem:s7+$0xD810] =	vst v14;
	v11 =	vadd.f32 v11, v3  }
0x7a: {  	v14 =	vld [tilespmem:s21+$0x5810];
	[tilespmem:s7+$0xD820] =	vst v12;
	v8 =	vadd.f32 v8, v2  }
.Ltmp3:
0x7b: {  	v12 =	vld [tilespmem:s21+$0x5820];
	[tilespmem:s7+$0xD830] =	vst v11;
	v9 =	vadd.f32 v9, v1;
	(pc) =	sbr.rel @p2 .LBB2_5-.Ltmp3, $4  }
0x7c: {  	v11 =	vld [tilespmem:s21+$0x5830];
	[tilespmem:s7+$0xD840] =	vst v8;
	v10 =	vadd.f32 v10, v0  }
0x7d: {  	v8 =	vld [tilespmem:s21+$0x5840];
	v15 =	vadd.f32 v15, v7;
	[tilespmem:s7+$0xD850] =	vst v9  }
0x7e: {  	v13 =	vadd.f32 v13, v6;
	v9 =	vld [tilespmem:s21+$0x5850];
	[tilespmem:s7+$0xD860] =	vst v10;
	s7 =	smov.u32 s21  }
0x7f: {  	s21 =	sshra.s32 s8, $0x2;
	s8 =	sadd.s32 $0x200, s8;
	v14 =	vadd.f32 v14, v5;
	v10 =	vld [tilespmem:s7+$0x5860];
	[tilespmem:s7+$0xD870] =	vst v15  }
0x80: {  	v15 =	vld [tilespmem:s21+$0x5870];
	[tilespmem:s7+$0xD800] =	vst v13;
	v12 =	vadd.f32 v12, v4  }
0x81: {  	v13 =	vld [tilespmem:s21+$0x5800];
	[tilespmem:s7+$0xD810] =	vst v14;
	v11 =	vadd.f32 v11, v3  }
0x82: {  	v14 =	vld [tilespmem:s21+$0x5810];
	[tilespmem:s7+$0xD820] =	vst v12;
	v8 =	vadd.f32 v8, v2  }
0x83: {  	v12 =	vld [tilespmem:s21+$0x5820];
	[tilespmem:s7+$0xD830] =	vst v11;
	v9 =	vadd.f32 v9, v1  }
0x84: {  	v11 =	vld [tilespmem:s21+$0x5830];
	[tilespmem:s7+$0xD840] =	vst v8;
	v10 =	vadd.f32 v10, v0  }
0x85: {  	v8 =	vld [tilespmem:s21+$0x5840];
	[tilespmem:s7+$0xD850] =	vst v9;
	v7 =	vadd.f32 v15, v7  }
0x86: {  	v9 =	vld [tilespmem:s21+$0x5850];
	[tilespmem:s7+$0xD860] =	vst v10;
	v6 =	vadd.f32 v13, v6  }
0x87: {  	v10 =	vld [tilespmem:s21+$0x5860];
	v5 =	vadd.f32 v14, v5;
	[tilespmem:s21+$0xD870] =	vst v7  }
0x88: {  	[tilespmem:s21+$0xD800] =	vst v6;
	v4 =	vadd.f32 v12, v4  }
0x89: {  	[tilespmem:s21+$0xD810] =	vst v5;
	v3 =	vadd.f32 v11, v3  }
0x8a: {  	[tilespmem:s21+$0xD820] =	vst v4;
	v2 =	vadd.f32 v8, v2  }
0x8b: {  	[tilespmem:s21+$0xD830] =	vst v3;
	v1 =	vadd.f32 v9, v1  }
0x8c: {  	[tilespmem:s21+$0xD840] =	vst v2;
	v0 =	vadd.f32 v10, v0  }
0x8d: {  	s20 =	sshll.u32 s20, $0x4;
	[tilespmem:s21+$0xD850] =	vst v1  }
0x8e: {  	s7 =	sadd.s32 s3, s20;
	[tilespmem:s21+$0xD860] =	vst v0  }
0x8f: {  	[hbm4b:s7+s4] =	stream.linear.scatter [tilespmem:s25], [sflag:$0x6], $0x2000, $0x38;
	[tilespmem:$0x13800] =	vst v63  }
0x90: {  	s8 =	simm.s32 @!p1 $0x40;
	s20 =	simm.s32 @!p1 $0x5800;
	s7 =	sadd.s32 @!p1 $0x280, s17  }
0x91: {  	[tilespmem:s20], [sflag:$0x2] =	stream.indirect.gather @!p1 [hbm4b:s1+s8], $0x80, s7, s8, $0xb8;
	[tilespmem:$0x13800] =	vst v63  }
0x92: {  	_ =	swait.ge [sflag:s26], $0x2000  }
0x93: {  	s20 =	sadd.s32 $0x80, s18;
	[sflag:s26] =	ssyncset.done $0x0  }
0x94: {  	s7 =	simm.s32 @!p0 $0x7;
	s21 =	sshrl.u32 s20, $0xA;
	[sflag:s26] =	ssyncadd.s32 $0xFFFFE000  }
0x95: {  	s8 =	ssub.s32 s21, s6;
	_ =	swait.ge @!p0 [sflag:s7], $0x2000  }
0x96: {  	s8 =	sshll.u32 s8, $0x9;
	[sflag:s7] =	ssyncset.done @!p0 $0x0  }
0x97: {  	s21 =	sshra.s32 s8, $0x2;
	[sflag:s7] =	ssyncadd.s32 @!p0 $0xFFFFE000  }
0x98: {  	v6 =	vld [tilespmem:s21+$0x3400]  }
0x99: {  	v5 =	vld [tilespmem:s21+$0x3410]  }
0x9a: {  	v4 =	vld [tilespmem:s21+$0x3420]  }
0x9b: {  	v3 =	vld [tilespmem:s21+$0x3430]  }
0x9c: {  	v2 =	vld [tilespmem:s21+$0x3440]  }
0x9d: {  	v1 =	vld [tilespmem:s21+$0x3450]  }
0x9e: {  	v0 =	vld [tilespmem:s21+$0x3460]  }
0x9f: {  	s7 =	simm.s32 $0x0;
	v7 =	vld [tilespmem:s21+$0x3470]  }
0xa0: {  	v9 =	vld [tilespmem:s7+$0x7870]  }
0xa1: {  	v13 =	vld [tilespmem:s7+$0x7800]  }
0xa2: {  	v14 =	vld [tilespmem:s7+$0x7810]  }
0xa3: {  	v12 =	vld [tilespmem:s7+$0x7820]  }
0xa4: {  	v11 =	vld [tilespmem:s7+$0x7830]  }
0xa5: {  	v8 =	vld [tilespmem:s7+$0x7840];
	v15 =	vadd.f32 v9, v7  }
0xa6: {  	v9 =	vld [tilespmem:s7+$0x7850];
	v13 =	vadd.f32 v13, v6  }
0xa7: {  	s8 =	simm.s32 $0x400;
	v10 =	vld [tilespmem:s7+$0x7860];
	s21 =	simm.s32 $0x80;
	v14 =	vadd.f32 v14, v5;
	[tilespmem:s7+$0xF870] =	vst v15  }
.LBB2_7:
0xa8: {  	p2 =	sne.s32 s8, $0x7E00;
	v15 =	vld [tilespmem:s21+$0x7870];
	[tilespmem:s7+$0xF800] =	vst v13;
	v12 =	vadd.f32 v12, v4  }
0xa9: {  	v13 =	vld [tilespmem:s21+$0x7800];
	[tilespmem:s7+$0xF810] =	vst v14;
	v11 =	vadd.f32 v11, v3  }
0xaa: {  	v14 =	vld [tilespmem:s21+$0x7810];
	[tilespmem:s7+$0xF820] =	vst v12;
	v8 =	vadd.f32 v8, v2  }
.Ltmp4:
0xab: {  	v12 =	vld [tilespmem:s21+$0x7820];
	[tilespmem:s7+$0xF830] =	vst v11;
	v9 =	vadd.f32 v9, v1;
	(pc) =	sbr.rel @p2 .LBB2_7-.Ltmp4, $4  }
0xac: {  	v11 =	vld [tilespmem:s21+$0x7830];
	[tilespmem:s7+$0xF840] =	vst v8;
	v10 =	vadd.f32 v10, v0  }
0xad: {  	v8 =	vld [tilespmem:s21+$0x7840];
	v15 =	vadd.f32 v15, v7;
	[tilespmem:s7+$0xF850] =	vst v9  }
0xae: {  	v13 =	vadd.f32 v13, v6;
	v9 =	vld [tilespmem:s21+$0x7850];
	[tilespmem:s7+$0xF860] =	vst v10;
	s7 =	smov.u32 s21  }
0xaf: {  	s21 =	sshra.s32 s8, $0x2;
	s8 =	sadd.s32 $0x200, s8;
	v14 =	vadd.f32 v14, v5;
	v10 =	vld [tilespmem:s7+$0x7860];
	[tilespmem:s7+$0xF870] =	vst v15  }
0xb0: {  	v15 =	vld [tilespmem:s21+$0x7870];
	[tilespmem:s7+$0xF800] =	vst v13;
	v12 =	vadd.f32 v12, v4  }
0xb1: {  	v13 =	vld [tilespmem:s21+$0x7800];
	[tilespmem:s7+$0xF810] =	vst v14;
	v11 =	vadd.f32 v11, v3  }
0xb2: {  	v14 =	vld [tilespmem:s21+$0x7810];
	[tilespmem:s7+$0xF820] =	vst v12;
	v8 =	vadd.f32 v8, v2  }
0xb3: {  	v12 =	vld [tilespmem:s21+$0x7820];
	[tilespmem:s7+$0xF830] =	vst v11;
	v9 =	vadd.f32 v9, v1  }
0xb4: {  	v11 =	vld [tilespmem:s21+$0x7830];
	[tilespmem:s7+$0xF840] =	vst v8;
	v10 =	vadd.f32 v10, v0  }
0xb5: {  	v8 =	vld [tilespmem:s21+$0x7840];
	[tilespmem:s7+$0xF850] =	vst v9;
	v7 =	vadd.f32 v15, v7  }
0xb6: {  	v9 =	vld [tilespmem:s21+$0x7850];
	[tilespmem:s7+$0xF860] =	vst v10;
	v6 =	vadd.f32 v13, v6  }
0xb7: {  	v10 =	vld [tilespmem:s21+$0x7860];
	v5 =	vadd.f32 v14, v5;
	[tilespmem:s21+$0xF870] =	vst v7  }
0xb8: {  	[tilespmem:s21+$0xF800] =	vst v6;
	v4 =	vadd.f32 v12, v4  }
0xb9: {  	[tilespmem:s21+$0xF810] =	vst v5;
	v3 =	vadd.f32 v11, v3  }
0xba: {  	[tilespmem:s21+$0xF820] =	vst v4;
	v2 =	vadd.f32 v8, v2  }
0xbb: {  	[tilespmem:s21+$0xF830] =	vst v3;
	v1 =	vadd.f32 v9, v1  }
0xbc: {  	[tilespmem:s21+$0xF840] =	vst v2;
	v0 =	vadd.f32 v10, v0  }
0xbd: {  	s8 =	sshll.u32 s20, $0x4;
	[tilespmem:s21+$0xF850] =	vst v1  }
0xbe: {  	s7 =	sadd.s32 s3, s8;
	[tilespmem:s21+$0xF860] =	vst v0  }
0xbf: {  	[hbm4b:s7+s4] =	stream.linear.scatter [tilespmem:s28], [sflag:$0x7], $0x2000, $0x38;
	[tilespmem:$0x13800] =	vst v63  }
0xc0: {  	s8 =	simm.s32 @!p1 $0x40;
	s7 =	sadd.s32 @!p1 $0x300, s17;
	s17 =	simm.s32 @!p1 $0x7800  }
0xc1: {  	[tilespmem:s17], [sflag:$0x3] =	stream.indirect.gather @!p1 [hbm4b:s1+s8], $0x80, s7, s8, $0xb8;
	[tilespmem:$0x13800] =	vst v63  }
0xc2: {  	_ =	swait.ge [sflag:s29], $0x2000  }
0xc3: {  	s17 =	sadd.s32 $0xC0, s18;
	[sflag:s29] =	ssyncset.done $0x0  }
0xc4: {  	s7 =	simm.s32 @!p0 $0x8;
	s20 =	sshrl.u32 s17, $0xA;
	[sflag:s29] =	ssyncadd.s32 $0xFFFFE000  }
0xc5: {  	s8 =	ssub.s32 s20, s6;
	_ =	swait.ge @!p0 [sflag:s7], $0x2000  }
0xc6: {  	s8 =	sshll.u32 s8, $0x9;
	[sflag:s7] =	ssyncset.done @!p0 $0x0  }
0xc7: {  	s21 =	sshra.s32 s8, $0x2;
	[sflag:s7] =	ssyncadd.s32 @!p0 $0xFFFFE000  }
0xc8: {  	v6 =	vld [tilespmem:s21+$0x3400]  }
0xc9: {  	v5 =	vld [tilespmem:s21+$0x3410]  }
0xca: {  	v4 =	vld [tilespmem:s21+$0x3420]  }
0xcb: {  	v3 =	vld [tilespmem:s21+$0x3430]  }
0xcc: {  	v2 =	vld [tilespmem:s21+$0x3440]  }
0xcd: {  	v1 =	vld [tilespmem:s21+$0x3450]  }
0xce: {  	v0 =	vld [tilespmem:s21+$0x3460]  }
0xcf: {  	s7 =	simm.s32 $0x0;
	v7 =	vld [tilespmem:s21+$0x3470]  }
0xd0: {  	v9 =	vld [tilespmem:s7+$0x9870]  }
0xd1: {  	v13 =	vld [tilespmem:s7+$0x9800]  }
0xd2: {  	v14 =	vld [tilespmem:s7+$0x9810]  }
0xd3: {  	v12 =	vld [tilespmem:s7+$0x9820]  }
0xd4: {  	v11 =	vld [tilespmem:s7+$0x9830]  }
0xd5: {  	v8 =	vld [tilespmem:s7+$0x9840];
	v15 =	vadd.f32 v9, v7  }
0xd6: {  	v9 =	vld [tilespmem:s7+$0x9850];
	v13 =	vadd.f32 v13, v6  }
0xd7: {  	s18 =	simm.s32 $0x80;
	s8 =	simm.s32 $0x400;
	v10 =	vld [tilespmem:s7+$0x9860];
	v14 =	vadd.f32 v14, v5;
	[tilespmem:s7+$0x11870] =	vst v15  }
.LBB2_9:
0xd8: {  	p0 =	sne.s32 s8, $0x7E00;
	v15 =	vld [tilespmem:s18+$0x9870];
	[tilespmem:s7+$0x11800] =	vst v13;
	v12 =	vadd.f32 v12, v4  }
0xd9: {  	v13 =	vld [tilespmem:s18+$0x9800];
	[tilespmem:s7+$0x11810] =	vst v14;
	v11 =	vadd.f32 v11, v3  }
0xda: {  	v14 =	vld [tilespmem:s18+$0x9810];
	[tilespmem:s7+$0x11820] =	vst v12;
	v8 =	vadd.f32 v8, v2  }
.Ltmp5:
0xdb: {  	v12 =	vld [tilespmem:s18+$0x9820];
	[tilespmem:s7+$0x11830] =	vst v11;
	v9 =	vadd.f32 v9, v1;
	(pc) =	sbr.rel @p0 .LBB2_9-.Ltmp5, $4  }
0xdc: {  	v11 =	vld [tilespmem:s18+$0x9830];
	[tilespmem:s7+$0x11840] =	vst v8;
	v10 =	vadd.f32 v10, v0  }
0xdd: {  	v8 =	vld [tilespmem:s18+$0x9840];
	v15 =	vadd.f32 v15, v7;
	[tilespmem:s7+$0x11850] =	vst v9  }
0xde: {  	v13 =	vadd.f32 v13, v6;
	v9 =	vld [tilespmem:s18+$0x9850];
	[tilespmem:s7+$0x11860] =	vst v10;
	s7 =	smov.u32 s18  }
0xdf: {  	s18 =	sshra.s32 s8, $0x2;
	s8 =	sadd.s32 $0x200, s8;
	v14 =	vadd.f32 v14, v5;
	v10 =	vld [tilespmem:s7+$0x9860];
	[tilespmem:s7+$0x11870] =	vst v15  }
0xe0: {  	v15 =	vld [tilespmem:s18+$0x9870];
	[tilespmem:s7+$0x11800] =	vst v13;
	v12 =	vadd.f32 v12, v4  }
0xe1: {  	v13 =	vld [tilespmem:s18+$0x9800];
	[tilespmem:s7+$0x11810] =	vst v14;
	v11 =	vadd.f32 v11, v3  }
0xe2: {  	v14 =	vld [tilespmem:s18+$0x9810];
	[tilespmem:s7+$0x11820] =	vst v12;
	v8 =	vadd.f32 v8, v2  }
0xe3: {  	v12 =	vld [tilespmem:s18+$0x9820];
	[tilespmem:s7+$0x11830] =	vst v11;
	v9 =	vadd.f32 v9, v1  }
0xe4: {  	v11 =	vld [tilespmem:s18+$0x9830];
	[tilespmem:s7+$0x11840] =	vst v8;
	v10 =	vadd.f32 v10, v0  }
0xe5: {  	v8 =	vld [tilespmem:s18+$0x9840];
	[tilespmem:s7+$0x11850] =	vst v9;
	v7 =	vadd.f32 v15, v7  }
0xe6: {  	v9 =	vld [tilespmem:s18+$0x9850];
	[tilespmem:s7+$0x11860] =	vst v10;
	v6 =	vadd.f32 v13, v6  }
0xe7: {  	v10 =	vld [tilespmem:s18+$0x9860];
	v5 =	vadd.f32 v14, v5;
	[tilespmem:s18+$0x11870] =	vst v7  }
0xe8: {  	[tilespmem:s18+$0x11800] =	vst v6;
	v59 =	vadd.f32 v12, v4  }
0xe9: {  	[tilespmem:s18+$0x11810] =	vst v5;
	v60 =	vadd.f32 v11, v3  }
0xea: {  	[tilespmem:s18+$0x11820] =	vst v59;
	v61 =	vadd.f32 v8, v2  }
.Ltmp6:
0xeb: {  	[tilespmem:s18+$0x11830] =	vst v60;
	v62 =	vadd.f32 v9, v1;
	(pc) =	sbr.rel @p1 .LBB2_12-.Ltmp6, $4  }
0xec: {  	[tilespmem:s18+$0x11840] =	vst v61;
	v63 =	vadd.f32 v10, v0  }
0xed: {  	s21 =	sshll.u32 s17, $0x4;
	[tilespmem:s18+$0x11850] =	vst v62  }
0xee: {  	s7 =	sadd.s32 s3, s21;
	[tilespmem:s18+$0x11860] =	vst v63  }
0xef: {  	[hbm4b:s7+s4] =	stream.linear.scatter [tilespmem:s30], [sflag:$0x8], $0x2000, $0x38;
	[tilespmem:$0x13800] =	vst v63  }
.Ltmp7:
0xf0: {  	(pc) =	sbr.rel .LBB2_2-.Ltmp7, $4  }
0xf1: {  	_ = 	snop  }
0xf2: {  	s7 =	sshrl.u32 s16, $0x2  }
0xf3: {  	s15 =	sadd.s32 $0x1, s15;
	s7 =	sadd.s32 $0x380, s7  }
0xf4: {  	[tilespmem:s19], [sflag:$0x4] =	stream.indirect.gather [hbm4b:s1+s12], $0x80, s7, s12, $0xb8;
	[tilespmem:$0x13800] =	vst v63  }
.LBB2_13:
0xf5: {  	_ =	sfence.sel $0x180000  }
0xf6: {  	[bflag:$0x0] =	sbarrier.arrive $0xFFFF  }
0xf7: {  	_ =	strace $0x90000047  }
0xf8: {  	s0 =	stileid.u32;
	[bflag:$0x2] =	sbarrier.arrive $0xFFFF  }
0xf9: {  	p0 =	sne.s32 s0, $0x0;
	s0 =	rddreg [dreg:$0x4]  }
0xfa: {  	s0 =	sadd.s32 @!p0 $0x100000, s0  }
0xfb: {  	[sflag:s0] =	ssyncadd.tile.s32 @!p0 $0x1;
	_ =	shalt  }
.Lfunc_end2:
_tile_overlayer_lowered:
.L_overlay_start_2:
0xfc: {  	(tag) =	ssettag $0x2  }
0xfd: {  	s0 =	rddreg [dreg:$0x0];
	s2 =	stileid.u32  }
0xfe: {  	s1 =	rddreg [dreg:$0x1];
	p0 =	sne.s32 s2, $0x0  }
0xff: {  	s3 =	rddreg [dreg:$0x2];
	[bflag:$0x3] =	sbarrier.arrive $0xFFFF;
	s2 =	simm.s32 @!p0 $0x1C09  }
0x100: {  	[timem:s3], [sflag:s2] =	dma.local @!p0 [hbm:s0], s1  }
0x101: {  	s0 =	simm.s32 @!p0 $0x9  }
0x102: {  	_ =	swait.ge @!p0 [sflag:s0], s1  }
0x103: {  	s1 =	ssub.s32 @!p0 $0x0, s1;
	[sflag:s0] =	ssyncset.done @!p0 $0x0  }
0x104: {  	[sflag:s0] =	ssyncadd.s32 @!p0 s1  }
0x105: {  	[bflag:$0x3] =	sbarrier.arrive $0xFFFF  }
0x106: {  	_ =	shalt  }

</sc_bundles>
